<compile_context>
chip_gen: v7x
topology: tpu7x:2x2x1
jax: 0.10.2.dev20260603
libtpu: 0.0.44.dev20260713+nightly
codegen_flags: <defaults>
</compile_context>

<pallas_src>
import functools

import jax
import jax.numpy as jnp
from jax import lax
from jax.experimental import pallas as pl
from jax.experimental.pallas import tpu as pltpu
from jax.experimental.pallas import tpu_sc as plsc

_D = 64
_B = 16384
_H = 50
_N = _B * _H
_NC = 2
_NS = 16
_L = 16
_NW = _NC * _NS
_PER_W = _N // _NW
_CHUNK = 512
_NCHUNK = _PER_W // _CHUNK
_GROUPS = _CHUNK // _L


def _tec_body(ids_hbm, mask_hbm, table_hbm, out_hbm,
              ids_v, mask_v, gidx_v, rows_v, sem):
    wid = lax.axis_index("s") * _NC + lax.axis_index("c")
    base = wid * _PER_W

    def chunk_body(c, carry):
        off = base + c * _CHUNK
        pltpu.sync_copy(ids_hbm.at[pl.ds(off, _CHUNK)], ids_v)
        pltpu.sync_copy(mask_hbm.at[pl.ds(off, _CHUNK)], mask_v)

        def prelude(g, carry2):
            s = pl.ds(g * _L, _L)
            gidx_v[s] = ids_v[s] * mask_v[s]
            return carry2

        lax.fori_loop(0, _GROUPS, prelude, 0)

        pltpu.async_copy(table_hbm.at[gidx_v], rows_v, sem).wait()

        def group(g, carry2):
            mvec = mask_v[pl.ds(g * _L, _L)].astype(jnp.float32)
            for l in range(_L):
                r = g * _L + l
                m = lax.gather(
                    mvec, jnp.full((_L, 1), l, jnp.int32),
                    lax.GatherDimensionNumbers(
                        offset_dims=(), collapsed_slice_dims=(0,),
                        start_index_map=(0,)),
                    (1,), mode=lax.GatherScatterMode.PROMISE_IN_BOUNDS)
                for j in range(_D // _L):
                    s = pl.ds(j * _L, _L)
                    rows_v[r, s] = rows_v[r, s] * m
            return carry2

        lax.fori_loop(0, _GROUPS, group, 0)

        pltpu.sync_copy(rows_v, out_hbm.at[pl.ds(off, _CHUNK)])
        return carry

    lax.fori_loop(0, _NCHUNK, chunk_body, 0)


@jax.jit
def kernel(input_ids, input_mask, embedding_table):
    ids = input_ids.reshape(-1).astype(jnp.int32)
    mask = input_mask.reshape(-1).astype(jnp.int32)
    mesh = plsc.VectorSubcoreMesh(core_axis_name="c", subcore_axis_name="s")
    call = pl.kernel(
        _tec_body,
        mesh=mesh,
        compiler_params=pltpu.CompilerParams(use_tc_tiling_on_sc=False),
        out_type=jax.ShapeDtypeStruct((_N, _D), jnp.float32),
        scratch_types=[
            pltpu.VMEM((_CHUNK,), jnp.int32),
            pltpu.VMEM((_CHUNK,), jnp.int32),
            pltpu.VMEM((_CHUNK,), jnp.int32),
            pltpu.VMEM((_CHUNK, _D), jnp.float32),
            pltpu.SemaphoreType.DMA,
        ],
    )
    out = call(ids, mask, embedding_table)
    return out.reshape(_B, _H, _D)

# --- scband reference (transcript-rebuilt; emitter-appended) ---
"""Pipeline reference for scband-embedding-lookup-31868657336512 (READ-ONLY COPY).

The authoritative reference and input builder live on the scoring server;
editing this copy changes nothing except your own understanding.
"""

import jax, jax.numpy as jnp
import numpy as np

VOCAB_SIZE = 1000000
EMBED_DIM = 64
BATCH = 16384
HIST_LEN = 50

def setup_inputs(seed: int = 0) -> dict:
    key = jax.random.key(seed)
    k_ids, k_mask, k_table = jax.random.split(key, 3)
    input_ids = jax.random.randint(k_ids, (BATCH, HIST_LEN), 0, VOCAB_SIZE, dtype=jnp.int64 if jax.config.jax_enable_x64 else jnp.int32)
    input_mask = jax.random.randint(k_mask, (BATCH, HIST_LEN), 0, 2, dtype=input_ids.dtype)
    # Truncated-normal-initialized embedding table, stddev=0.02
    embedding_table = (jax.random.truncated_normal(k_table, -2.0, 2.0, (VOCAB_SIZE, EMBED_DIM), dtype=jnp.float32) * 0.02)
    return {"input_ids": input_ids, "input_mask": input_mask, "embedding_table": embedding_table}

def reference(input_ids, input_mask, embedding_table):
    # Faithful translation of EmbeddingLookup.call with projection_size=0
    # and use_one_hot_lookup=False.
    ids = input_ids * input_mask  # masked ids become 0
    output = jnp.take(embedding_table, ids, axis=0)  # tf.gather
    output = output * jnp.expand_dims(input_mask.astype(output.dtype), axis=-1)
    return output

if __name__ == "__main__":
    import jax
    _d = setup_inputs()
    print(jax.jit(kernel)(*tuple(_d.values())))

</pallas_src>

<mosaic_0001>
#map = affine_map<(d0, d1) -> (0)>
#map1 = affine_map<(d0, d1) -> (0, 0)>
module attributes {stable_mosaic.version = 14 : i64} {
  func.func @_tec_body(%arg0: i32, %arg1: i32, %arg2: memref<819200xi32, #tpu.memory_space<hbm>>, %arg3: memref<819200xi32, #tpu.memory_space<hbm>>, %arg4: memref<1000000x64xf32, #tpu.memory_space<hbm>>, %arg5: memref<819200x64xf32, #tpu.memory_space<hbm>>, %arg6: memref<512xi32, #tpu.memory_space<vmem>>, %arg7: memref<512xi32, #tpu.memory_space<vmem>>, %arg8: memref<512xi32, #tpu.memory_space<vmem>>, %arg9: memref<512x64xf32, #tpu.memory_space<vmem>>, %arg10: memref<!tpu.dma_semaphore, #tpu.memory_space<semaphore_mem>>) attributes {dimension_semantics = [#tpu.dimension_semantics<core_parallel>, #tpu.dimension_semantics<subcore_parallel>], iteration_bounds = array<i64: 2, 16>, scalar_prefetch = 0 : i64, scratch_operands = 5 : i64, tpu.core_type = #tpu.core_type<sc_vector_subcore>, window_params = [{transform_indices = #map}, {transform_indices = #map}, {transform_indices = #map1}, {transform_indices = #map1}]} {
    %mul3A = arith.constant 2 : i32
    %mul3A_0 = arith.muli %arg1, %mul3A : i32
    %add3A = arith.addi %mul3A_0, %arg0 : i32
    %mul3A_1 = arith.constant 25600 : i32
    %mul3A_2 = arith.muli %add3A, %mul3A_1 : i32
    %scan3A = arith.constant 0 : i32
    %scan3A_3 = arith.constant 0 : i32
    %scan3A_4 = arith.constant 50 : i32
    %scan3A_5 = arith.addi %scan3A_3, %scan3A_4 : i32
    %scan3A_6 = arith.constant 1 : i32
    scf.for %scan3A_8 = %scan3A_3 to %scan3A_5 step %scan3A_6  : i32 {
      %mul3A_9 = arith.constant 512 : i32
      %mul3A_10 = arith.muli %scan3A_8, %mul3A_9 : i32
      %add3A_11 = arith.addi %mul3A_2, %mul3A_10 : i32
      "tpu.region"() ({
        %run_scoped3A = tpu.sem_alloc : memref<!tpu.dma_semaphore, #tpu.memory_space<semaphore_mem>>
        %dma_start3A_28 = tpu.memref_slice %arg2[%add3A_11] : memref<819200xi32, #tpu.memory_space<hbm>> -> memref<512xi32, #tpu.memory_space<hbm>>
        %dma_start3A_29 = tpu.memref_slice %arg2[%add3A_11] : memref<819200xi32, #tpu.memory_space<hbm>> -> memref<512xi32, #tpu.memory_space<hbm>>
        tpu.enqueue_dma source(%dma_start3A_29 : memref<512xi32, #tpu.memory_space<hbm>>) target(%arg6 : memref<512xi32, #tpu.memory_space<vmem>>) target_semaphore(%run_scoped3A : memref<!tpu.dma_semaphore, #tpu.memory_space<semaphore_mem>>)
        %dma_wait3A_30 = tpu.memref_slice %arg2[%add3A_11] : memref<819200xi32, #tpu.memory_space<hbm>> -> memref<512xi32, #tpu.memory_space<hbm>>
        %dma_wait3A_31 = tpu.memref_slice %arg2[%add3A_11] : memref<819200xi32, #tpu.memory_space<hbm>> -> memref<512xi32, #tpu.memory_space<hbm>>
        tpu.wait_dma2 semaphore(%run_scoped3A : memref<!tpu.dma_semaphore, #tpu.memory_space<semaphore_mem>>) src(%dma_wait3A_31 : memref<512xi32, #tpu.memory_space<hbm>>) dst(%arg6 : memref<512xi32, #tpu.memory_space<vmem>>)
        tpu.yield
      }) : () -> ()
      "tpu.region"() ({
        %run_scoped3A = tpu.sem_alloc : memref<!tpu.dma_semaphore, #tpu.memory_space<semaphore_mem>>
        %dma_start3A_28 = tpu.memref_slice %arg3[%add3A_11] : memref<819200xi32, #tpu.memory_space<hbm>> -> memref<512xi32, #tpu.memory_space<hbm>>
        %dma_start3A_29 = tpu.memref_slice %arg3[%add3A_11] : memref<819200xi32, #tpu.memory_space<hbm>> -> memref<512xi32, #tpu.memory_space<hbm>>
        tpu.enqueue_dma source(%dma_start3A_29 : memref<512xi32, #tpu.memory_space<hbm>>) target(%arg7 : memref<512xi32, #tpu.memory_space<vmem>>) target_semaphore(%run_scoped3A : memref<!tpu.dma_semaphore, #tpu.memory_space<semaphore_mem>>)
        %dma_wait3A_30 = tpu.memref_slice %arg3[%add3A_11] : memref<819200xi32, #tpu.memory_space<hbm>> -> memref<512xi32, #tpu.memory_space<hbm>>
        %dma_wait3A_31 = tpu.memref_slice %arg3[%add3A_11] : memref<819200xi32, #tpu.memory_space<hbm>> -> memref<512xi32, #tpu.memory_space<hbm>>
        tpu.wait_dma2 semaphore(%run_scoped3A : memref<!tpu.dma_semaphore, #tpu.memory_space<semaphore_mem>>) src(%dma_wait3A_31 : memref<512xi32, #tpu.memory_space<hbm>>) dst(%arg7 : memref<512xi32, #tpu.memory_space<vmem>>)
        tpu.yield
      }) : () -> ()
      %scan3A_12 = arith.constant 0 : i32
      %scan3A_13 = arith.constant 0 : i32
      %scan3A_14 = arith.constant 32 : i32
      %scan3A_15 = arith.addi %scan3A_13, %scan3A_14 : i32
      %scan3A_16 = arith.constant 1 : i32
      scf.for %scan3A_28 = %scan3A_13 to %scan3A_15 step %scan3A_16  : i32 {
        %mul3A_29 = arith.constant 16 : i32
        %mul3A_30 = arith.muli %scan3A_28, %mul3A_29 : i32
        %get3A = arith.index_cast %mul3A_30 : i32 to index
        %get3A_31 = tpu.vector_load %arg6[%get3A] {strides = array<i32>} : memref<512xi32, #tpu.memory_space<vmem>>, vector<16xi32>,
        %get3A_32 = vector.shape_cast %get3A_31 : vector<16xi32> to vector<16xi32>
        %get3A_33 = arith.index_cast %mul3A_30 : i32 to index
        %get3A_34 = tpu.vector_load %arg7[%get3A_33] {strides = array<i32>} : memref<512xi32, #tpu.memory_space<vmem>>, vector<16xi32>,
        %get3A_35 = vector.shape_cast %get3A_34 : vector<16xi32> to vector<16xi32>
        %mul3A_36 = arith.muli %get3A_32, %get3A_35 : vector<16xi32>
        %swap3A = arith.index_cast %mul3A_30 : i32 to index
        %swap3A_37 = tpu.vector_load %arg8[%swap3A] {strides = array<i32>} : memref<512xi32, #tpu.memory_space<vmem>>, vector<16xi32>,
        %swap3A_38 = vector.shape_cast %swap3A_37 : vector<16xi32> to vector<16xi32>
        %swap3A_39 = vector.shape_cast %mul3A_36 : vector<16xi32> to vector<16xi32>
        tpu.vector_store %arg8[%swap3A], %swap3A_39 {strides = array<i32>} : memref<512xi32, #tpu.memory_space<vmem>>, vector<16xi32>,
      }
      %scan3A_17 = arith.constant 32 : i32
      %dma_start3A = arith.constant 0 : i32
      %dma_start3A_18 = arith.constant 0 : i32
      %dma_start3A_19 = tpu.memref_slice %arg4[%dma_start3A, %dma_start3A_18] : memref<1000000x64xf32, #tpu.memory_space<hbm>> -> memref<1000000x64xf32, #tpu.memory_space<hbm>>
      tpu.enqueue_indirect_dma source(%dma_start3A_19 : memref<1000000x64xf32, #tpu.memory_space<hbm>>) target(%arg9 : memref<512x64xf32, #tpu.memory_space<vmem>>) offsets(%arg8 : memref<512xi32, #tpu.memory_space<vmem>>) semaphore(%arg10 : memref<!tpu.dma_semaphore, #tpu.memory_space<semaphore_mem>>)
      %dma_wait3A = arith.constant 0 : i32
      %dma_wait3A_20 = arith.constant 0 : i32
      %dma_wait3A_21 = tpu.memref_slice %arg4[%dma_wait3A, %dma_wait3A_20] : memref<1000000x64xf32, #tpu.memory_space<hbm>> -> memref<1000000x64xf32, #tpu.memory_space<hbm>>
      tpu.wait_indirect_dma semaphore(%arg10 : memref<!tpu.dma_semaphore, #tpu.memory_space<semaphore_mem>>) src(%dma_wait3A_21 : memref<1000000x64xf32, #tpu.memory_space<hbm>>) dst(%arg9 : memref<512x64xf32, #tpu.memory_space<vmem>>)
      %scan3A_22 = arith.constant 0 : i32
      %scan3A_23 = arith.constant 0 : i32
      %scan3A_24 = arith.constant 32 : i32
      %scan3A_25 = arith.addi %scan3A_23, %scan3A_24 : i32
      %scan3A_26 = arith.constant 1 : i32
      scf.for %scan3A_28 = %scan3A_23 to %scan3A_25 step %scan3A_26  : i32 {
        %mul3A_29 = arith.constant 16 : i32
        %mul3A_30 = arith.muli %scan3A_28, %mul3A_29 : i32
        %get3A = arith.index_cast %mul3A_30 : i32 to index
        %get3A_31 = tpu.vector_load %arg7[%get3A] {strides = array<i32>} : memref<512xi32, #tpu.memory_space<vmem>>, vector<16xi32>,
        %get3A_32 = vector.shape_cast %get3A_31 : vector<16xi32> to vector<16xi32>
        %convert_element_type3A = arith.sitofp %get3A_32 : vector<16xi32> to vector<16xf32>
        %mul3A_33 = arith.constant 16 : i32
        %mul3A_34 = arith.muli %scan3A_28, %mul3A_33 : i32
        %add3A_35 = arith.constant 0 : i32
        %add3A_36 = arith.addi %mul3A_34, %add3A_35 : i32
        %broadcast_in_dim3A = arith.constant 0 : i32
        %broadcast_in_dim3A_37 = vector.broadcast %broadcast_in_dim3A : i32 to vector<16x1xi32>
        %gather3A = vector.shape_cast %broadcast_in_dim3A_37 : vector<16x1xi32> to vector<16xi32>
        %gather3A_38 = tpu.dynamic_gather %convert_element_type3A[%gather3A] in [0] : vector<16xf32>, vector<16xi32> -> vector<16xf32>
        %get3A_39 = arith.index_cast %add3A_36 : i32 to index
        %get3A_40 = arith.constant 0 : index
        %get3A_41 = tpu.vector_load %arg9[%get3A_39, %get3A_40] {strides = array<i32>} : memref<512x64xf32, #tpu.memory_space<vmem>>, vector<1x16xf32>,
        %get3A_42 = vector.shape_cast %get3A_41 : vector<1x16xf32> to vector<16xf32>
        %mul3A_43 = arith.mulf %get3A_42, %gather3A_38 : vector<16xf32>
        %swap3A = arith.index_cast %add3A_36 : i32 to index
        %swap3A_44 = arith.constant 0 : index
        %swap3A_45 = tpu.vector_load %arg9[%swap3A, %swap3A_44] {strides = array<i32>} : memref<512x64xf32, #tpu.memory_space<vmem>>, vector<1x16xf32>,
        %swap3A_46 = vector.shape_cast %swap3A_45 : vector<1x16xf32> to vector<16xf32>
        %swap3A_47 = vector.shape_cast %mul3A_43 : vector<16xf32> to vector<1x16xf32>
        tpu.vector_store %arg9[%swap3A, %swap3A_44], %swap3A_47 {strides = array<i32>} : memref<512x64xf32, #tpu.memory_space<vmem>>, vector<1x16xf32>,
        %get3A_48 = arith.index_cast %add3A_36 : i32 to index
        %get3A_49 = arith.constant 16 : index
        %get3A_50 = tpu.vector_load %arg9[%get3A_48, %get3A_49] {strides = array<i32>} : memref<512x64xf32, #tpu.memory_space<vmem>>, vector<1x16xf32>,
        %get3A_51 = vector.shape_cast %get3A_50 : vector<1x16xf32> to vector<16xf32>
        %mul3A_52 = arith.mulf %get3A_51, %gather3A_38 : vector<16xf32>
        %swap3A_53 = arith.index_cast %add3A_36 : i32 to index
        %swap3A_54 = arith.constant 16 : index
        %swap3A_55 = tpu.vector_load %arg9[%swap3A_53, %swap3A_54] {strides = array<i32>} : memref<512x64xf32, #tpu.memory_space<vmem>>, vector<1x16xf32>,
        %swap3A_56 = vector.shape_cast %swap3A_55 : vector<1x16xf32> to vector<16xf32>
        %swap3A_57 = vector.shape_cast %mul3A_52 : vector<16xf32> to vector<1x16xf32>
        tpu.vector_store %arg9[%swap3A_53, %swap3A_54], %swap3A_57 {strides = array<i32>} : memref<512x64xf32, #tpu.memory_space<vmem>>, vector<1x16xf32>,
        %get3A_58 = arith.index_cast %add3A_36 : i32 to index
        %get3A_59 = arith.constant 32 : index
        %get3A_60 = tpu.vector_load %arg9[%get3A_58, %get3A_59] {strides = array<i32>} : memref<512x64xf32, #tpu.memory_space<vmem>>, vector<1x16xf32>,
        %get3A_61 = vector.shape_cast %get3A_60 : vector<1x16xf32> to vector<16xf32>
        %mul3A_62 = arith.mulf %get3A_61, %gather3A_38 : vector<16xf32>
        %swap3A_63 = arith.index_cast %add3A_36 : i32 to index
        %swap3A_64 = arith.constant 32 : index
        %swap3A_65 = tpu.vector_load %arg9[%swap3A_63, %swap3A_64] {strides = array<i32>} : memref<512x64xf32, #tpu.memory_space<vmem>>, vector<1x16xf32>,
        %swap3A_66 = vector.shape_cast %swap3A_65 : vector<1x16xf32> to vector<16xf32>
        %swap3A_67 = vector.shape_cast %mul3A_62 : vector<16xf32> to vector<1x16xf32>
        tpu.vector_store %arg9[%swap3A_63, %swap3A_64], %swap3A_67 {strides = array<i32>} : memref<512x64xf32, #tpu.memory_space<vmem>>, vector<1x16xf32>,
        %get3A_68 = arith.index_cast %add3A_36 : i32 to index
        %get3A_69 = arith.constant 48 : index
        %get3A_70 = tpu.vector_load %arg9[%get3A_68, %get3A_69] {strides = array<i32>} : memref<512x64xf32, #tpu.memory_space<vmem>>, vector<1x16xf32>,
        %get3A_71 = vector.shape_cast %get3A_70 : vector<1x16xf32> to vector<16xf32>
        %mul3A_72 = arith.mulf %get3A_71, %gather3A_38 : vector<16xf32>
        %swap3A_73 = arith.index_cast %add3A_36 : i32 to index
        %swap3A_74 = arith.constant 48 : index
        %swap3A_75 = tpu.vector_load %arg9[%swap3A_73, %swap3A_74] {strides = array<i32>} : memref<512x64xf32, #tpu.memory_space<vmem>>, vector<1x16xf32>,
        %swap3A_76 = vector.shape_cast %swap3A_75 : vector<1x16xf32> to vector<16xf32>
        %swap3A_77 = vector.shape_cast %mul3A_72 : vector<16xf32> to vector<1x16xf32>
        tpu.vector_store %arg9[%swap3A_73, %swap3A_74], %swap3A_77 {strides = array<i32>} : memref<512x64xf32, #tpu.memory_space<vmem>>, vector<1x16xf32>,
        %mul3A_78 = arith.constant 16 : i32
        %mul3A_79 = arith.muli %scan3A_28, %mul3A_78 : i32
        %add3A_80 = arith.constant 1 : i32
        %add3A_81 = arith.addi %mul3A_79, %add3A_80 : i32
        %broadcast_in_dim3A_82 = arith.constant 1 : i32
        %broadcast_in_dim3A_83 = vector.broadcast %broadcast_in_dim3A_82 : i32 to vector<16x1xi32>
        %gather3A_84 = vector.shape_cast %broadcast_in_dim3A_83 : vector<16x1xi32> to vector<16xi32>
        %gather3A_85 = tpu.dynamic_gather %convert_element_type3A[%gather3A_84] in [0] : vector<16xf32>, vector<16xi32> -> vector<16xf32>
        %get3A_86 = arith.index_cast %add3A_81 : i32 to index
        %get3A_87 = arith.constant 0 : index
        %get3A_88 = tpu.vector_load %arg9[%get3A_86, %get3A_87] {strides = array<i32>} : memref<512x64xf32, #tpu.memory_space<vmem>>, vector<1x16xf32>,
        %get3A_89 = vector.shape_cast %get3A_88 : vector<1x16xf32> to vector<16xf32>
        %mul3A_90 = arith.mulf %get3A_89, %gather3A_85 : vector<16xf32>
        %swap3A_91 = arith.index_cast %add3A_81 : i32 to index
        %swap3A_92 = arith.constant 0 : index
        %swap3A_93 = tpu.vector_load %arg9[%swap3A_91, %swap3A_92] {strides = array<i32>} : memref<512x64xf32, #tpu.memory_space<vmem>>, vector<1x16xf32>,
        %swap3A_94 = vector.shape_cast %swap3A_93 : vector<1x16xf32> to vector<16xf32>
        %swap3A_95 = vector.shape_cast %mul3A_90 : vector<16xf32> to vector<1x16xf32>
        tpu.vector_store %arg9[%swap3A_91, %swap3A_92], %swap3A_95 {strides = array<i32>} : memref<512x64xf32, #tpu.memory_space<vmem>>, vector<1x16xf32>,
        %get3A_96 = arith.index_cast %add3A_81 : i32 to index
        %get3A_97 = arith.constant 16 : index
        %get3A_98 = tpu.vector_load %arg9[%get3A_96, %get3A_97] {strides = array<i32>} : memref<512x64xf32, #tpu.memory_space<vmem>>, vector<1x16xf32>,
        %get3A_99 = vector.shape_cast %get3A_98 : vector<1x16xf32> to vector<16xf32>
        %mul3A_100 = arith.mulf %get3A_99, %gather3A_85 : vector<16xf32>
        %swap3A_101 = arith.index_cast %add3A_81 : i32 to index
        %swap3A_102 = arith.constant 16 : index
        %swap3A_103 = tpu.vector_load %arg9[%swap3A_101, %swap3A_102] {strides = array<i32>} : memref<512x64xf32, #tpu.memory_space<vmem>>, vector<1x16xf32>,
        %swap3A_104 = vector.shape_cast %swap3A_103 : vector<1x16xf32> to vector<16xf32>
        %swap3A_105 = vector.shape_cast %mul3A_100 : vector<16xf32> to vector<1x16xf32>
        tpu.vector_store %arg9[%swap3A_101, %swap3A_102], %swap3A_105 {strides = array<i32>} : memref<512x64xf32, #tpu.memory_space<vmem>>, vector<1x16xf32>,
        %get3A_106 = arith.index_cast %add3A_81 : i32 to index
        %get3A_107 = arith.constant 32 : index
        %get3A_108 = tpu.vector_load %arg9[%get3A_106, %get3A_107] {strides = array<i32>} : memref<512x64xf32, #tpu.memory_space<vmem>>, vector<1x16xf32>,
        %get3A_109 = vector.shape_cast %get3A_108 : vector<1x16xf32> to vector<16xf32>
        %mul3A_110 = arith.mulf %get3A_109, %gather3A_85 : vector<16xf32>
        %swap3A_111 = arith.index_cast %add3A_81 : i32 to index
        %swap3A_112 = arith.constant 32 : index
        %swap3A_113 = tpu.vector_load %arg9[%swap3A_111, %swap3A_112] {strides = array<i32>} : memref<512x64xf32, #tpu.memory_space<vmem>>, vector<1x16xf32>,
        %swap3A_114 = vector.shape_cast %swap3A_113 : vector<1x16xf32> to vector<16xf32>
        %swap3A_115 = vector.shape_cast %mul3A_110 : vector<16xf32> to vector<1x16xf32>
        tpu.vector_store %arg9[%swap3A_111, %swap3A_112], %swap3A_115 {strides = array<i32>} : memref<512x64xf32, #tpu.memory_space<vmem>>, vector<1x16xf32>,
        %get3A_116 = arith.index_cast %add3A_81 : i32 to index
        %get3A_117 = arith.constant 48 : index
        %get3A_118 = tpu.vector_load %arg9[%get3A_116, %get3A_117] {strides = array<i32>} : memref<512x64xf32, #tpu.memory_space<vmem>>, vector<1x16xf32>,
        %get3A_119 = vector.shape_cast %get3A_118 : vector<1x16xf32> to vector<16xf32>
        %mul3A_120 = arith.mulf %get3A_119, %gather3A_85 : vector<16xf32>
        %swap3A_121 = arith.index_cast %add3A_81 : i32 to index
        %swap3A_122 = arith.constant 48 : index
        %swap3A_123 = tpu.vector_load %arg9[%swap3A_121, %swap3A_122] {strides = array<i32>} : memref<512x64xf32, #tpu.memory_space<vmem>>, vector<1x16xf32>,
        %swap3A_124 = vector.shape_cast %swap3A_123 : vector<1x16xf32> to vector<16xf32>
        %swap3A_125 = vector.shape_cast %mul3A_120 : vector<16xf32> to vector<1x16xf32>
        tpu.vector_store %arg9[%swap3A_121, %swap3A_122], %swap3A_125 {strides = array<i32>} : memref<512x64xf32, #tpu.memory_space<vmem>>, vector<1x16xf32>,
        %mul3A_126 = arith.constant 16 : i32
        %mul3A_127 = arith.muli %scan3A_28, %mul3A_126 : i32
        %add3A_128 = arith.constant 2 : i32
        %add3A_129 = arith.addi %mul3A_127, %add3A_128 : i32
        %broadcast_in_dim3A_130 = arith.constant 2 : i32
        %broadcast_in_dim3A_131 = vector.broadcast %broadcast_in_dim3A_130 : i32 to vector<16x1xi32>
        %gather3A_132 = vector.shape_cast %broadcast_in_dim3A_131 : vector<16x1xi32> to vector<16xi32>
        %gather3A_133 = tpu.dynamic_gather %convert_element_type3A[%gather3A_132] in [0] : vector<16xf32>, vector<16xi32> -> vector<16xf32>
        %get3A_134 = arith.index_cast %add3A_129 : i32 to index
        %get3A_135 = arith.constant 0 : index
        %get3A_136 = tpu.vector_load %arg9[%get3A_134, %get3A_135] {strides = array<i32>} : memref<512x64xf32, #tpu.memory_space<vmem>>, vector<1x16xf32>,
        %get3A_137 = vector.shape_cast %get3A_136 : vector<1x16xf32> to vector<16xf32>
        %mul3A_138 = arith.mulf %get3A_137, %gather3A_133 : vector<16xf32>
        %swap3A_139 = arith.index_cast %add3A_129 : i32 to index
        %swap3A_140 = arith.constant 0 : index
        %swap3A_141 = tpu.vector_load %arg9[%swap3A_139, %swap3A_140] {strides = array<i32>} : memref<512x64xf32, #tpu.memory_space<vmem>>, vector<1x16xf32>,
        %swap3A_142 = vector.shape_cast %swap3A_141 : vector<1x16xf32> to vector<16xf32>
        %swap3A_143 = vector.shape_cast %mul3A_138 : vector<16xf32> to vector<1x16xf32>
        tpu.vector_store %arg9[%swap3A_139, %swap3A_140], %swap3A_143 {strides = array<i32>} : memref<512x64xf32, #tpu.memory_space<vmem>>, vector<1x16xf32>,
        %get3A_144 = arith.index_cast %add3A_129 : i32 to index
        %get3A_145 = arith.constant 16 : index
        %get3A_146 = tpu.vector_load %arg9[%get3A_144, %get3A_145] {strides = array<i32>} : memref<512x64xf32, #tpu.memory_space<vmem>>, vector<1x16xf32>,
        %get3A_147 = vector.shape_cast %get3A_146 : vector<1x16xf32> to vector<16xf32>
        %mul3A_148 = arith.mulf %get3A_147, %gather3A_133 : vector<16xf32>
        %swap3A_149 = arith.index_cast %add3A_129 : i32 to index
        %swap3A_150 = arith.constant 16 : index
        %swap3A_151 = tpu.vector_load %arg9[%swap3A_149, %swap3A_150] {strides = array<i32>} : memref<512x64xf32, #tpu.memory_space<vmem>>, vector<1x16xf32>,
        %swap3A_152 = vector.shape_cast %swap3A_151 : vector<1x16xf32> to vector<16xf32>
        %swap3A_153 = vector.shape_cast %mul3A_148 : vector<16xf32> to vector<1x16xf32>
        tpu.vector_store %arg9[%swap3A_149, %swap3A_150], %swap3A_153 {strides = array<i32>} : memref<512x64xf32, #tpu.memory_space<vmem>>, vector<1x16xf32>,
        %get3A_154 = arith.index_cast %add3A_129 : i32 to index
        %get3A_155 = arith.constant 32 : index
        %get3A_156 = tpu.vector_load %arg9[%get3A_154, %get3A_155] {strides = array<i32>} : memref<512x64xf32, #tpu.memory_space<vmem>>, vector<1x16xf32>,
        %get3A_157 = vector.shape_cast %get3A_156 : vector<1x16xf32> to vector<16xf32>
        %mul3A_158 = arith.mulf %get3A_157, %gather3A_133 : vector<16xf32>
        %swap3A_159 = arith.index_cast %add3A_129 : i32 to index
        %swap3A_160 = arith.constant 32 : index
        %swap3A_161 = tpu.vector_load %arg9[%swap3A_159, %swap3A_160] {strides = array<i32>} : memref<512x64xf32, #tpu.memory_space<vmem>>, vector<1x16xf32>,
        %swap3A_162 = vector.shape_cast %swap3A_161 : vector<1x16xf32> to vector<16xf32>
        %swap3A_163 = vector.shape_cast %mul3A_158 : vector<16xf32> to vector<1x16xf32>
        tpu.vector_store %arg9[%swap3A_159, %swap3A_160], %swap3A_163 {strides = array<i32>} : memref<512x64xf32, #tpu.memory_space<vmem>>, vector<1x16xf32>,
        %get3A_164 = arith.index_cast %add3A_129 : i32 to index
        %get3A_165 = arith.constant 48 : index
        %get3A_166 = tpu.vector_load %arg9[%get3A_164, %get3A_165] {strides = array<i32>} : memref<512x64xf32, #tpu.memory_space<vmem>>, vector<1x16xf32>,
        %get3A_167 = vector.shape_cast %get3A_166 : vector<1x16xf32> to vector<16xf32>
        %mul3A_168 = arith.mulf %get3A_167, %gather3A_133 : vector<16xf32>
        %swap3A_169 = arith.index_cast %add3A_129 : i32 to index
        %swap3A_170 = arith.constant 48 : index
        %swap3A_171 = tpu.vector_load %arg9[%swap3A_169, %swap3A_170] {strides = array<i32>} : memref<512x64xf32, #tpu.memory_space<vmem>>, vector<1x16xf32>,
        %swap3A_172 = vector.shape_cast %swap3A_171 : vector<1x16xf32> to vector<16xf32>
        %swap3A_173 = vector.shape_cast %mul3A_168 : vector<16xf32> to vector<1x16xf32>
        tpu.vector_store %arg9[%swap3A_169, %swap3A_170], %swap3A_173 {strides = array<i32>} : memref<512x64xf32, #tpu.memory_space<vmem>>, vector<1x16xf32>,
        %mul3A_174 = arith.constant 16 : i32
        %mul3A_175 = arith.muli %scan3A_28, %mul3A_174 : i32
        %add3A_176 = arith.constant 3 : i32
        %add3A_177 = arith.addi %mul3A_175, %add3A_176 : i32
        %broadcast_in_dim3A_178 = arith.constant 3 : i32
        %broadcast_in_dim3A_179 = vector.broadcast %broadcast_in_dim3A_178 : i32 to vector<16x1xi32>
        %gather3A_180 = vector.shape_cast %broadcast_in_dim3A_179 : vector<16x1xi32> to vector<16xi32>
        %gather3A_181 = tpu.dynamic_gather %convert_element_type3A[%gather3A_180] in [0] : vector<16xf32>, vector<16xi32> -> vector<16xf32>
        %get3A_182 = arith.index_cast %add3A_177 : i32 to index
        %get3A_183 = arith.constant 0 : index
        %get3A_184 = tpu.vector_load %arg9[%get3A_182, %get3A_183] {strides = array<i32>} : memref<512x64xf32, #tpu.memory_space<vmem>>, vector<1x16xf32>,
        %get3A_185 = vector.shape_cast %get3A_184 : vector<1x16xf32> to vector<16xf32>
        %mul3A_186 = arith.mulf %get3A_185, %gather3A_181 : vector<16xf32>
        %swap3A_187 = arith.index_cast %add3A_177 : i32 to index
        %swap3A_188 = arith.constant 0 : index
        %swap3A_189 = tpu.vector_load %arg9[%swap3A_187, %swap3A_188] {strides = array<i32>} : memref<512x64xf32, #tpu.memory_space<vmem>>, vector<1x16xf32>,
        %swap3A_190 = vector.shape_cast %swap3A_189 : vector<1x16xf32> to vector<16xf32>
        %swap3A_191 = vector.shape_cast %mul3A_186 : vector<16xf32> to vector<1x16xf32>
        tpu.vector_store %arg9[%swap3A_187, %swap3A_188], %swap3A_191 {strides = array<i32>} : memref<512x64xf32, #tpu.memory_space<vmem>>, vector<1x16xf32>,
        %get3A_192 = arith.index_cast %add3A_177 : i32 to index
        %get3A_193 = arith.constant 16 : index
        %get3A_194 = tpu.vector_load %arg9[%get3A_192, %get3A_193] {strides = array<i32>} : memref<512x64xf32, #tpu.memory_space<vmem>>, vector<1x16xf32>,
        %get3A_195 = vector.shape_cast %get3A_194 : vector<1x16xf32> to vector<16xf32>
        %mul3A_196 = arith.mulf %get3A_195, %gather3A_181 : vector<16xf32>
        %swap3A_197 = arith.index_cast %add3A_177 : i32 to index
        %swap3A_198 = arith.constant 16 : index
        %swap3A_199 = tpu.vector_load %arg9[%swap3A_197, %swap3A_198] {strides = array<i32>} : memref<512x64xf32, #tpu.memory_space<vmem>>, vector<1x16xf32>,
        %swap3A_200 = vector.shape_cast %swap3A_199 : vector<1x16xf32> to vector<16xf32>
        %swap3A_201 = vector.shape_cast %mul3A_196 : vector<16xf32> to vector<1x16xf32>
        tpu.vector_store %arg9[%swap3A_197, %swap3A_198], %swap3A_201 {strides = array<i32>} : memref<512x64xf32, #tpu.memory_space<vmem>>, vector<1x16xf32>,
        %get3A_202 = arith.index_cast %add3A_177 : i32 to index
        %get3A_203 = arith.constant 32 : index
        %get3A_204 = tpu.vector_load %arg9[%get3A_202, %get3A_203] {strides = array<i32>} : memref<512x64xf32, #tpu.memory_space<vmem>>, vector<1x16xf32>,
        %get3A_205 = vector.shape_cast %get3A_204 : vector<1x16xf32> to vector<16xf32>
        %mul3A_206 = arith.mulf %get3A_205, %gather3A_181 : vector<16xf32>
        %swap3A_207 = arith.index_cast %add3A_177 : i32 to index
        %swap3A_208 = arith.constant 32 : index
        %swap3A_209 = tpu.vector_load %arg9[%swap3A_207, %swap3A_208] {strides = array<i32>} : memref<512x64xf32, #tpu.memory_space<vmem>>, vector<1x16xf32>,
        %swap3A_210 = vector.shape_cast %swap3A_209 : vector<1x16xf32> to vector<16xf32>
        %swap3A_211 = vector.shape_cast %mul3A_206 : vector<16xf32> to vector<1x16xf32>
        tpu.vector_store %arg9[%swap3A_207, %swap3A_208], %swap3A_211 {strides = array<i32>} : memref<512x64xf32, #tpu.memory_space<vmem>>, vector<1x16xf32>,
        %get3A_212 = arith.index_cast %add3A_177 : i32 to index
        %get3A_213 = arith.constant 48 : index
        %get3A_214 = tpu.vector_load %arg9[%get3A_212, %get3A_213] {strides = array<i32>} : memref<512x64xf32, #tpu.memory_space<vmem>>, vector<1x16xf32>,
        %get3A_215 = vector.shape_cast %get3A_214 : vector<1x16xf32> to vector<16xf32>
        %mul3A_216 = arith.mulf %get3A_215, %gather3A_181 : vector<16xf32>
        %swap3A_217 = arith.index_cast %add3A_177 : i32 to index
        %swap3A_218 = arith.constant 48 : index
        %swap3A_219 = tpu.vector_load %arg9[%swap3A_217, %swap3A_218] {strides = array<i32>} : memref<512x64xf32, #tpu.memory_space<vmem>>, vector<1x16xf32>,
        %swap3A_220 = vector.shape_cast %swap3A_219 : vector<1x16xf32> to vector<16xf32>
        %swap3A_221 = vector.shape_cast %mul3A_216 : vector<16xf32> to vector<1x16xf32>
        tpu.vector_store %arg9[%swap3A_217, %swap3A_218], %swap3A_221 {strides = array<i32>} : memref<512x64xf32, #tpu.memory_space<vmem>>, vector<1x16xf32>,
        %mul3A_222 = arith.constant 16 : i32
        %mul3A_223 = arith.muli %scan3A_28, %mul3A_222 : i32
        %add3A_224 = arith.constant 4 : i32
        %add3A_225 = arith.addi %mul3A_223, %add3A_224 : i32
        %broadcast_in_dim3A_226 = arith.constant 4 : i32
        %broadcast_in_dim3A_227 = vector.broadcast %broadcast_in_dim3A_226 : i32 to vector<16x1xi32>
        %gather3A_228 = vector.shape_cast %broadcast_in_dim3A_227 : vector<16x1xi32> to vector<16xi32>
        %gather3A_229 = tpu.dynamic_gather %convert_element_type3A[%gather3A_228] in [0] : vector<16xf32>, vector<16xi32> -> vector<16xf32>
        %get3A_230 = arith.index_cast %add3A_225 : i32 to index
        %get3A_231 = arith.constant 0 : index
        %get3A_232 = tpu.vector_load %arg9[%get3A_230, %get3A_231] {strides = array<i32>} : memref<512x64xf32, #tpu.memory_space<vmem>>, vector<1x16xf32>,
        %get3A_233 = vector.shape_cast %get3A_232 : vector<1x16xf32> to vector<16xf32>
        %mul3A_234 = arith.mulf %get3A_233, %gather3A_229 : vector<16xf32>
        %swap3A_235 = arith.index_cast %add3A_225 : i32 to index
        %swap3A_236 = arith.constant 0 : index
        %swap3A_237 = tpu.vector_load %arg9[%swap3A_235, %swap3A_236] {strides = array<i32>} : memref<512x64xf32, #tpu.memory_space<vmem>>, vector<1x16xf32>,
        %swap3A_238 = vector.shape_cast %swap3A_237 : vector<1x16xf32> to vector<16xf32>
        %swap3A_239 = vector.shape_cast %mul3A_234 : vector<16xf32> to vector<1x16xf32>
        tpu.vector_store %arg9[%swap3A_235, %swap3A_236], %swap3A_239 {strides = array<i32>} : memref<512x64xf32, #tpu.memory_space<vmem>>, vector<1x16xf32>,
        %get3A_240 = arith.index_cast %add3A_225 : i32 to index
        %get3A_241 = arith.constant 16 : index
        %get3A_242 = tpu.vector_load %arg9[%get3A_240, %get3A_241] {strides = array<i32>} : memref<512x64xf32, #tpu.memory_space<vmem>>, vector<1x16xf32>,
        %get3A_243 = vector.shape_cast %get3A_242 : vector<1x16xf32> to vector<16xf32>
        %mul3A_244 = arith.mulf %get3A_243, %gather3A_229 : vector<16xf32>
        %swap3A_245 = arith.index_cast %add3A_225 : i32 to index
        %swap3A_246 = arith.constant 16 : index
        %swap3A_247 = tpu.vector_load %arg9[%swap3A_245, %swap3A_246] {strides = array<i32>} : memref<512x64xf32, #tpu.memory_space<vmem>>, vector<1x16xf32>,
        %swap3A_248 = vector.shape_cast %swap3A_247 : vector<1x16xf32> to vector<16xf32>
        %swap3A_249 = vector.shape_cast %mul3A_244 : vector<16xf32> to vector<1x16xf32>
        tpu.vector_store %arg9[%swap3A_245, %swap3A_246], %swap3A_249 {strides = array<i32>} : memref<512x64xf32, #tpu.memory_space<vmem>>, vector<1x16xf32>,
        %get3A_250 = arith.index_cast %add3A_225 : i32 to index
        %get3A_251 = arith.constant 32 : index
        %get3A_252 = tpu.vector_load %arg9[%get3A_250, %get3A_251] {strides = array<i32>} : memref<512x64xf32, #tpu.memory_space<vmem>>, vector<1x16xf32>,
        %get3A_253 = vector.shape_cast %get3A_252 : vector<1x16xf32> to vector<16xf32>
        %mul3A_254 = arith.mulf %get3A_253, %gather3A_229 : vector<16xf32>
        %swap3A_255 = arith.index_cast %add3A_225 : i32 to index
        %swap3A_256 = arith.constant 32 : index
        %swap3A_257 = tpu.vector_load %arg9[%swap3A_255, %swap3A_256] {strides = array<i32>} : memref<512x64xf32, #tpu.memory_space<vmem>>, vector<1x16xf32>,
        %swap3A_258 = vector.shape_cast %swap3A_257 : vector<1x16xf32> to vector<16xf32>
        %swap3A_259 = vector.shape_cast %mul3A_254 : vector<16xf32> to vector<1x16xf32>
        tpu.vector_store %arg9[%swap3A_255, %swap3A_256], %swap3A_259 {strides = array<i32>} : memref<512x64xf32, #tpu.memory_space<vmem>>, vector<1x16xf32>,
        %get3A_260 = arith.index_cast %add3A_225 : i32 to index
        %get3A_261 = arith.constant 48 : index
        %get3A_262 = tpu.vector_load %arg9[%get3A_260, %get3A_261] {strides = array<i32>} : memref<512x64xf32, #tpu.memory_space<vmem>>, vector<1x16xf32>,
        %get3A_263 = vector.shape_cast %get3A_262 : vector<1x16xf32> to vector<16xf32>
        %mul3A_264 = arith.mulf %get3A_263, %gather3A_229 : vector<16xf32>
        %swap3A_265 = arith.index_cast %add3A_225 : i32 to index
        %swap3A_266 = arith.constant 48 : index
        %swap3A_267 = tpu.vector_load %arg9[%swap3A_265, %swap3A_266] {strides = array<i32>} : memref<512x64xf32, #tpu.memory_space<vmem>>, vector<1x16xf32>,
        %swap3A_268 = vector.shape_cast %swap3A_267 : vector<1x16xf32> to vector<16xf32>
        %swap3A_269 = vector.shape_cast %mul3A_264 : vector<16xf32> to vector<1x16xf32>
        tpu.vector_store %arg9[%swap3A_265, %swap3A_266], %swap3A_269 {strides = array<i32>} : memref<512x64xf32, #tpu.memory_space<vmem>>, vector<1x16xf32>,
        %mul3A_270 = arith.constant 16 : i32
        %mul3A_271 = arith.muli %scan3A_28, %mul3A_270 : i32
        %add3A_272 = arith.constant 5 : i32
        %add3A_273 = arith.addi %mul3A_271, %add3A_272 : i32
        %broadcast_in_dim3A_274 = arith.constant 5 : i32
        %broadcast_in_dim3A_275 = vector.broadcast %broadcast_in_dim3A_274 : i32 to vector<16x1xi32>
        %gather3A_276 = vector.shape_cast %broadcast_in_dim3A_275 : vector<16x1xi32> to vector<16xi32>
        %gather3A_277 = tpu.dynamic_gather %convert_element_type3A[%gather3A_276] in [0] : vector<16xf32>, vector<16xi32> -> vector<16xf32>
        %get3A_278 = arith.index_cast %add3A_273 : i32 to index
        %get3A_279 = arith.constant 0 : index
        %get3A_280 = tpu.vector_load %arg9[%get3A_278, %get3A_279] {strides = array<i32>} : memref<512x64xf32, #tpu.memory_space<vmem>>, vector<1x16xf32>,
        %get3A_281 = vector.shape_cast %get3A_280 : vector<1x16xf32> to vector<16xf32>
        %mul3A_282 = arith.mulf %get3A_281, %gather3A_277 : vector<16xf32>
        %swap3A_283 = arith.index_cast %add3A_273 : i32 to index
        %swap3A_284 = arith.constant 0 : index
        %swap3A_285 = tpu.vector_load %arg9[%swap3A_283, %swap3A_284] {strides = array<i32>} : memref<512x64xf32, #tpu.memory_space<vmem>>, vector<1x16xf32>,
        %swap3A_286 = vector.shape_cast %swap3A_285 : vector<1x16xf32> to vector<16xf32>
        %swap3A_287 = vector.shape_cast %mul3A_282 : vector<16xf32> to vector<1x16xf32>
        tpu.vector_store %arg9[%swap3A_283, %swap3A_284], %swap3A_287 {strides = array<i32>} : memref<512x64xf32, #tpu.memory_space<vmem>>, vector<1x16xf32>,
        %get3A_288 = arith.index_cast %add3A_273 : i32 to index
        %get3A_289 = arith.constant 16 : index
        %get3A_290 = tpu.vector_load %arg9[%get3A_288, %get3A_289] {strides = array<i32>} : memref<512x64xf32, #tpu.memory_space<vmem>>, vector<1x16xf32>,
        %get3A_291 = vector.shape_cast %get3A_290 : vector<1x16xf32> to vector<16xf32>
        %mul3A_292 = arith.mulf %get3A_291, %gather3A_277 : vector<16xf32>
        %swap3A_293 = arith.index_cast %add3A_273 : i32 to index
        %swap3A_294 = arith.constant 16 : index
        %swap3A_295 = tpu.vector_load %arg9[%swap3A_293, %swap3A_294] {strides = array<i32>} : memref<512x64xf32, #tpu.memory_space<vmem>>, vector<1x16xf32>,
        %swap3A_296 = vector.shape_cast %swap3A_295 : vector<1x16xf32> to vector<16xf32>
        %swap3A_297 = vector.shape_cast %mul3A_292 : vector<16xf32> to vector<1x16xf32>
        tpu.vector_store %arg9[%swap3A_293, %swap3A_294], %swap3A_297 {strides = array<i32>} : memref<512x64xf32, #tpu.memory_space<vmem>>, vector<1x16xf32>,
        %get3A_298 = arith.index_cast %add3A_273 : i32 to index
        %get3A_299 = arith.constant 32 : index
        %get3A_300 = tpu.vector_load %arg9[%get3A_298, %get3A_299] {strides = array<i32>} : memref<512x64xf32, #tpu.memory_space<vmem>>, vector<1x16xf32>,
        %get3A_301 = vector.shape_cast %get3A_300 : vector<1x16xf32> to vector<16xf32>
        %mul3A_302 = arith.mulf %get3A_301, %gather3A_277 : vector<16xf32>
        %swap3A_303 = arith.index_cast %add3A_273 : i32 to index
        %swap3A_304 = arith.constant 32 : index
        %swap3A_305 = tpu.vector_load %arg9[%swap3A_303, %swap3A_304] {strides = array<i32>} : memref<512x64xf32, #tpu.memory_space<vmem>>, vector<1x16xf32>,
        %swap3A_306 = vector.shape_cast %swap3A_305 : vector<1x16xf32> to vector<16xf32>
        %swap3A_307 = vector.shape_cast %mul3A_302 : vector<16xf32> to vector<1x16xf32>
        tpu.vector_store %arg9[%swap3A_303, %swap3A_304], %swap3A_307 {strides = array<i32>} : memref<512x64xf32, #tpu.memory_space<vmem>>, vector<1x16xf32>,
        %get3A_308 = arith.index_cast %add3A_273 : i32 to index
        %get3A_309 = arith.constant 48 : index
        %get3A_310 = tpu.vector_load %arg9[%get3A_308, %get3A_309] {strides = array<i32>} : memref<512x64xf32, #tpu.memory_space<vmem>>, vector<1x16xf32>,
        %get3A_311 = vector.shape_cast %get3A_310 : vector<1x16xf32> to vector<16xf32>
        %mul3A_312 = arith.mulf %get3A_311, %gather3A_277 : vector<16xf32>
        %swap3A_313 = arith.index_cast %add3A_273 : i32 to index
        %swap3A_314 = arith.constant 48 : index
        %swap3A_315 = tpu.vector_load %arg9[%swap3A_313, %swap3A_314] {strides = array<i32>} : memref<512x64xf32, #tpu.memory_space<vmem>>, vector<1x16xf32>,
        %swap3A_316 = vector.shape_cast %swap3A_315 : vector<1x16xf32> to vector<16xf32>
        %swap3A_317 = vector.shape_cast %mul3A_312 : vector<16xf32> to vector<1x16xf32>
        tpu.vector_store %arg9[%swap3A_313, %swap3A_314], %swap3A_317 {strides = array<i32>} : memref<512x64xf32, #tpu.memory_space<vmem>>, vector<1x16xf32>,
        %mul3A_318 = arith.constant 16 : i32
        %mul3A_319 = arith.muli %scan3A_28, %mul3A_318 : i32
        %add3A_320 = arith.constant 6 : i32
        %add3A_321 = arith.addi %mul3A_319, %add3A_320 : i32
        %broadcast_in_dim3A_322 = arith.constant 6 : i32
        %broadcast_in_dim3A_323 = vector.broadcast %broadcast_in_dim3A_322 : i32 to vector<16x1xi32>
        %gather3A_324 = vector.shape_cast %broadcast_in_dim3A_323 : vector<16x1xi32> to vector<16xi32>
        %gather3A_325 = tpu.dynamic_gather %convert_element_type3A[%gather3A_324] in [0] : vector<16xf32>, vector<16xi32> -> vector<16xf32>
        %get3A_326 = arith.index_cast %add3A_321 : i32 to index
        %get3A_327 = arith.constant 0 : index
        %get3A_328 = tpu.vector_load %arg9[%get3A_326, %get3A_327] {strides = array<i32>} : memref<512x64xf32, #tpu.memory_space<vmem>>, vector<1x16xf32>,
        %get3A_329 = vector.shape_cast %get3A_328 : vector<1x16xf32> to vector<16xf32>
        %mul3A_330 = arith.mulf %get3A_329, %gather3A_325 : vector<16xf32>
        %swap3A_331 = arith.index_cast %add3A_321 : i32 to index
        %swap3A_332 = arith.constant 0 : index
        %swap3A_333 = tpu.vector_load %arg9[%swap3A_331, %swap3A_332] {strides = array<i32>} : memref<512x64xf32, #tpu.memory_space<vmem>>, vector<1x16xf32>,
        %swap3A_334 = vector.shape_cast %swap3A_333 : vector<1x16xf32> to vector<16xf32>
        %swap3A_335 = vector.shape_cast %mul3A_330 : vector<16xf32> to vector<1x16xf32>
        tpu.vector_store %arg9[%swap3A_331, %swap3A_332], %swap3A_335 {strides = array<i32>} : memref<512x64xf32, #tpu.memory_space<vmem>>, vector<1x16xf32>,
        %get3A_336 = arith.index_cast %add3A_321 : i32 to index
        %get3A_337 = arith.constant 16 : index
        %get3A_338 = tpu.vector_load %arg9[%get3A_336, %get3A_337] {strides = array<i32>} : memref<512x64xf32, #tpu.memory_space<vmem>>, vector<1x16xf32>,
        %get3A_339 = vector.shape_cast %get3A_338 : vector<1x16xf32> to vector<16xf32>
        %mul3A_340 = arith.mulf %get3A_339, %gather3A_325 : vector<16xf32>
        %swap3A_341 = arith.index_cast %add3A_321 : i32 to index
        %swap3A_342 = arith.constant 16 : index
        %swap3A_343 = tpu.vector_load %arg9[%swap3A_341, %swap3A_342] {strides = array<i32>} : memref<512x64xf32, #tpu.memory_space<vmem>>, vector<1x16xf32>,
        %swap3A_344 = vector.shape_cast %swap3A_343 : vector<1x16xf32> to vector<16xf32>
        %swap3A_345 = vector.shape_cast %mul3A_340 : vector<16xf32> to vector<1x16xf32>
        tpu.vector_store %arg9[%swap3A_341, %swap3A_342], %swap3A_345 {strides = array<i32>} : memref<512x64xf32, #tpu.memory_space<vmem>>, vector<1x16xf32>,
        %get3A_346 = arith.index_cast %add3A_321 : i32 to index
        %get3A_347 = arith.constant 32 : index
        %get3A_348 = tpu.vector_load %arg9[%get3A_346, %get3A_347] {strides = array<i32>} : memref<512x64xf32, #tpu.memory_space<vmem>>, vector<1x16xf32>,
        %get3A_349 = vector.shape_cast %get3A_348 : vector<1x16xf32> to vector<16xf32>
        %mul3A_350 = arith.mulf %get3A_349, %gather3A_325 : vector<16xf32>
        %swap3A_351 = arith.index_cast %add3A_321 : i32 to index
        %swap3A_352 = arith.constant 32 : index
        %swap3A_353 = tpu.vector_load %arg9[%swap3A_351, %swap3A_352] {strides = array<i32>} : memref<512x64xf32, #tpu.memory_space<vmem>>, vector<1x16xf32>,
        %swap3A_354 = vector.shape_cast %swap3A_353 : vector<1x16xf32> to vector<16xf32>
        %swap3A_355 = vector.shape_cast %mul3A_350 : vector<16xf32> to vector<1x16xf32>
        tpu.vector_store %arg9[%swap3A_351, %swap3A_352], %swap3A_355 {strides = array<i32>} : memref<512x64xf32, #tpu.memory_space<vmem>>, vector<1x16xf32>,
        %get3A_356 = arith.index_cast %add3A_321 : i32 to index
        %get3A_357 = arith.constant 48 : index
        %get3A_358 = tpu.vector_load %arg9[%get3A_356, %get3A_357] {strides = array<i32>} : memref<512x64xf32, #tpu.memory_space<vmem>>, vector<1x16xf32>,
        %get3A_359 = vector.shape_cast %get3A_358 : vector<1x16xf32> to vector<16xf32>
        %mul3A_360 = arith.mulf %get3A_359, %gather3A_325 : vector<16xf32>
        %swap3A_361 = arith.index_cast %add3A_321 : i32 to index
        %swap3A_362 = arith.constant 48 : index
        %swap3A_363 = tpu.vector_load %arg9[%swap3A_361, %swap3A_362] {strides = array<i32>} : memref<512x64xf32, #tpu.memory_space<vmem>>, vector<1x16xf32>,
        %swap3A_364 = vector.shape_cast %swap3A_363 : vector<1x16xf32> to vector<16xf32>
        %swap3A_365 = vector.shape_cast %mul3A_360 : vector<16xf32> to vector<1x16xf32>
        tpu.vector_store %arg9[%swap3A_361, %swap3A_362], %swap3A_365 {strides = array<i32>} : memref<512x64xf32, #tpu.memory_space<vmem>>, vector<1x16xf32>,
        %mul3A_366 = arith.constant 16 : i32
        %mul3A_367 = arith.muli %scan3A_28, %mul3A_366 : i32
        %add3A_368 = arith.constant 7 : i32
        %add3A_369 = arith.addi %mul3A_367, %add3A_368 : i32
        %broadcast_in_dim3A_370 = arith.constant 7 : i32
        %broadcast_in_dim3A_371 = vector.broadcast %broadcast_in_dim3A_370 : i32 to vector<16x1xi32>
        %gather3A_372 = vector.shape_cast %broadcast_in_dim3A_371 : vector<16x1xi32> to vector<16xi32>
        %gather3A_373 = tpu.dynamic_gather %convert_element_type3A[%gather3A_372] in [0] : vector<16xf32>, vector<16xi32> -> vector<16xf32>
        %get3A_374 = arith.index_cast %add3A_369 : i32 to index
        %get3A_375 = arith.constant 0 : index
        %get3A_376 = tpu.vector_load %arg9[%get3A_374, %get3A_375] {strides = array<i32>} : memref<512x64xf32, #tpu.memory_space<vmem>>, vector<1x16xf32>,
        %get3A_377 = vector.shape_cast %get3A_376 : vector<1x16xf32> to vector<16xf32>
        %mul3A_378 = arith.mulf %get3A_377, %gather3A_373 : vector<16xf32>
        %swap3A_379 = arith.index_cast %add3A_369 : i32 to index
        %swap3A_380 = arith.constant 0 : index
        %swap3A_381 = tpu.vector_load %arg9[%swap3A_379, %swap3A_380] {strides = array<i32>} : memref<512x64xf32, #tpu.memory_space<vmem>>, vector<1x16xf32>,
        %swap3A_382 = vector.shape_cast %swap3A_381 : vector<1x16xf32> to vector<16xf32>
        %swap3A_383 = vector.shape_cast %mul3A_378 : vector<16xf32> to vector<1x16xf32>
        tpu.vector_store %arg9[%swap3A_379, %swap3A_380], %swap3A_383 {strides = array<i32>} : memref<512x64xf32, #tpu.memory_space<vmem>>, vector<1x16xf32>,
        %get3A_384 = arith.index_cast %add3A_369 : i32 to index
        %get3A_385 = arith.constant 16 : index
        %get3A_386 = tpu.vector_load %arg9[%get3A_384, %get3A_385] {strides = array<i32>} : memref<512x64xf32, #tpu.memory_space<vmem>>, vector<1x16xf32>,
        %get3A_387 = vector.shape_cast %get3A_386 : vector<1x16xf32> to vector<16xf32>
        %mul3A_388 = arith.mulf %get3A_387, %gather3A_373 : vector<16xf32>
        %swap3A_389 = arith.index_cast %add3A_369 : i32 to index
        %swap3A_390 = arith.constant 16 : index
        %swap3A_391 = tpu.vector_load %arg9[%swap3A_389, %swap3A_390] {strides = array<i32>} : memref<512x64xf32, #tpu.memory_space<vmem>>, vector<1x16xf32>,
        %swap3A_392 = vector.shape_cast %swap3A_391 : vector<1x16xf32> to vector<16xf32>
        %swap3A_393 = vector.shape_cast %mul3A_388 : vector<16xf32> to vector<1x16xf32>
        tpu.vector_store %arg9[%swap3A_389, %swap3A_390], %swap3A_393 {strides = array<i32>} : memref<512x64xf32, #tpu.memory_space<vmem>>, vector<1x16xf32>,
        %get3A_394 = arith.index_cast %add3A_369 : i32 to index
        %get3A_395 = arith.constant 32 : index
        %get3A_396 = tpu.vector_load %arg9[%get3A_394, %get3A_395] {strides = array<i32>} : memref<512x64xf32, #tpu.memory_space<vmem>>, vector<1x16xf32>,
        %get3A_397 = vector.shape_cast %get3A_396 : vector<1x16xf32> to vector<16xf32>
        %mul3A_398 = arith.mulf %get3A_397, %gather3A_373 : vector<16xf32>
        %swap3A_399 = arith.index_cast %add3A_369 : i32 to index
        %swap3A_400 = arith.constant 32 : index
        %swap3A_401 = tpu.vector_load %arg9[%swap3A_399, %swap3A_400] {strides = array<i32>} : memref<512x64xf32, #tpu.memory_space<vmem>>, vector<1x16xf32>,
        %swap3A_402 = vector.shape_cast %swap3A_401 : vector<1x16xf32> to vector<16xf32>
        %swap3A_403 = vector.shape_cast %mul3A_398 : vector<16xf32> to vector<1x16xf32>
        tpu.vector_store %arg9[%swap3A_399, %swap3A_400], %swap3A_403 {strides = array<i32>} : memref<512x64xf32, #tpu.memory_space<vmem>>, vector<1x16xf32>,
        %get3A_404 = arith.index_cast %add3A_369 : i32 to index
        %get3A_405 = arith.constant 48 : index
        %get3A_406 = tpu.vector_load %arg9[%get3A_404, %get3A_405] {strides = array<i32>} : memref<512x64xf32, #tpu.memory_space<vmem>>, vector<1x16xf32>,
        %get3A_407 = vector.shape_cast %get3A_406 : vector<1x16xf32> to vector<16xf32>
        %mul3A_408 = arith.mulf %get3A_407, %gather3A_373 : vector<16xf32>
        %swap3A_409 = arith.index_cast %add3A_369 : i32 to index
        %swap3A_410 = arith.constant 48 : index
        %swap3A_411 = tpu.vector_load %arg9[%swap3A_409, %swap3A_410] {strides = array<i32>} : memref<512x64xf32, #tpu.memory_space<vmem>>, vector<1x16xf32>,
        %swap3A_412 = vector.shape_cast %swap3A_411 : vector<1x16xf32> to vector<16xf32>
        %swap3A_413 = vector.shape_cast %mul3A_408 : vector<16xf32> to vector<1x16xf32>
        tpu.vector_store %arg9[%swap3A_409, %swap3A_410], %swap3A_413 {strides = array<i32>} : memref<512x64xf32, #tpu.memory_space<vmem>>, vector<1x16xf32>,
        %mul3A_414 = arith.constant 16 : i32
        %mul3A_415 = arith.muli %scan3A_28, %mul3A_414 : i32
        %add3A_416 = arith.constant 8 : i32
        %add3A_417 = arith.addi %mul3A_415, %add3A_416 : i32
        %broadcast_in_dim3A_418 = arith.constant 8 : i32
        %broadcast_in_dim3A_419 = vector.broadcast %broadcast_in_dim3A_418 : i32 to vector<16x1xi32>
        %gather3A_420 = vector.shape_cast %broadcast_in_dim3A_419 : vector<16x1xi32> to vector<16xi32>
        %gather3A_421 = tpu.dynamic_gather %convert_element_type3A[%gather3A_420] in [0] : vector<16xf32>, vector<16xi32> -> vector<16xf32>
        %get3A_422 = arith.index_cast %add3A_417 : i32 to index
        %get3A_423 = arith.constant 0 : index
        %get3A_424 = tpu.vector_load %arg9[%get3A_422, %get3A_423] {strides = array<i32>} : memref<512x64xf32, #tpu.memory_space<vmem>>, vector<1x16xf32>,
        %get3A_425 = vector.shape_cast %get3A_424 : vector<1x16xf32> to vector<16xf32>
        %mul3A_426 = arith.mulf %get3A_425, %gather3A_421 : vector<16xf32>
        %swap3A_427 = arith.index_cast %add3A_417 : i32 to index
        %swap3A_428 = arith.constant 0 : index
        %swap3A_429 = tpu.vector_load %arg9[%swap3A_427, %swap3A_428] {strides = array<i32>} : memref<512x64xf32, #tpu.memory_space<vmem>>, vector<1x16xf32>,
        %swap3A_430 = vector.shape_cast %swap3A_429 : vector<1x16xf32> to vector<16xf32>
        %swap3A_431 = vector.shape_cast %mul3A_426 : vector<16xf32> to vector<1x16xf32>
        tpu.vector_store %arg9[%swap3A_427, %swap3A_428], %swap3A_431 {strides = array<i32>} : memref<512x64xf32, #tpu.memory_space<vmem>>, vector<1x16xf32>,
        %get3A_432 = arith.index_cast %add3A_417 : i32 to index
        %get3A_433 = arith.constant 16 : index
        %get3A_434 = tpu.vector_load %arg9[%get3A_432, %get3A_433] {strides = array<i32>} : memref<512x64xf32, #tpu.memory_space<vmem>>, vector<1x16xf32>,
        %get3A_435 = vector.shape_cast %get3A_434 : vector<1x16xf32> to vector<16xf32>
        %mul3A_436 = arith.mulf %get3A_435, %gather3A_421 : vector<16xf32>
        %swap3A_437 = arith.index_cast %add3A_417 : i32 to index
        %swap3A_438 = arith.constant 16 : index
        %swap3A_439 = tpu.vector_load %arg9[%swap3A_437, %swap3A_438] {strides = array<i32>} : memref<512x64xf32, #tpu.memory_space<vmem>>, vector<1x16xf32>,
        %swap3A_440 = vector.shape_cast %swap3A_439 : vector<1x16xf32> to vector<16xf32>
        %swap3A_441 = vector.shape_cast %mul3A_436 : vector<16xf32> to vector<1x16xf32>
        tpu.vector_store %arg9[%swap3A_437, %swap3A_438], %swap3A_441 {strides = array<i32>} : memref<512x64xf32, #tpu.memory_space<vmem>>, vector<1x16xf32>,
        %get3A_442 = arith.index_cast %add3A_417 : i32 to index
        %get3A_443 = arith.constant 32 : index
        %get3A_444 = tpu.vector_load %arg9[%get3A_442, %get3A_443] {strides = array<i32>} : memref<512x64xf32, #tpu.memory_space<vmem>>, vector<1x16xf32>,
        %get3A_445 = vector.shape_cast %get3A_444 : vector<1x16xf32> to vector<16xf32>
        %mul3A_446 = arith.mulf %get3A_445, %gather3A_421 : vector<16xf32>
        %swap3A_447 = arith.index_cast %add3A_417 : i32 to index
        %swap3A_448 = arith.constant 32 : index
        %swap3A_449 = tpu.vector_load %arg9[%swap3A_447, %swap3A_448] {strides = array<i32>} : memref<512x64xf32, #tpu.memory_space<vmem>>, vector<1x16xf32>,
        %swap3A_450 = vector.shape_cast %swap3A_449 : vector<1x16xf32> to vector<16xf32>
        %swap3A_451 = vector.shape_cast %mul3A_446 : vector<16xf32> to vector<1x16xf32>
        tpu.vector_store %arg9[%swap3A_447, %swap3A_448], %swap3A_451 {strides = array<i32>} : memref<512x64xf32, #tpu.memory_space<vmem>>, vector<1x16xf32>,
        %get3A_452 = arith.index_cast %add3A_417 : i32 to index
        %get3A_453 = arith.constant 48 : index
        %get3A_454 = tpu.vector_load %arg9[%get3A_452, %get3A_453] {strides = array<i32>} : memref<512x64xf32, #tpu.memory_space<vmem>>, vector<1x16xf32>,
        %get3A_455 = vector.shape_cast %get3A_454 : vector<1x16xf32> to vector<16xf32>
        %mul3A_456 = arith.mulf %get3A_455, %gather3A_421 : vector<16xf32>
        %swap3A_457 = arith.index_cast %add3A_417 : i32 to index
        %swap3A_458 = arith.constant 48 : index
        %swap3A_459 = tpu.vector_load %arg9[%swap3A_457, %swap3A_458] {strides = array<i32>} : memref<512x64xf32, #tpu.memory_space<vmem>>, vector<1x16xf32>,
        %swap3A_460 = vector.shape_cast %swap3A_459 : vector<1x16xf32> to vector<16xf32>
        %swap3A_461 = vector.shape_cast %mul3A_456 : vector<16xf32> to vector<1x16xf32>
        tpu.vector_store %arg9[%swap3A_457, %swap3A_458], %swap3A_461 {strides = array<i32>} : memref<512x64xf32, #tpu.memory_space<vmem>>, vector<1x16xf32>,
        %mul3A_462 = arith.constant 16 : i32
        %mul3A_463 = arith.muli %scan3A_28, %mul3A_462 : i32
        %add3A_464 = arith.constant 9 : i32
        %add3A_465 = arith.addi %mul3A_463, %add3A_464 : i32
        %broadcast_in_dim3A_466 = arith.constant 9 : i32
        %broadcast_in_dim3A_467 = vector.broadcast %broadcast_in_dim3A_466 : i32 to vector<16x1xi32>
        %gather3A_468 = vector.shape_cast %broadcast_in_dim3A_467 : vector<16x1xi32> to vector<16xi32>
        %gather3A_469 = tpu.dynamic_gather %convert_element_type3A[%gather3A_468] in [0] : vector<16xf32>, vector<16xi32> -> vector<16xf32>
        %get3A_470 = arith.index_cast %add3A_465 : i32 to index
        %get3A_471 = arith.constant 0 : index
        %get3A_472 = tpu.vector_load %arg9[%get3A_470, %get3A_471] {strides = array<i32>} : memref<512x64xf32, #tpu.memory_space<vmem>>, vector<1x16xf32>,
        %get3A_473 = vector.shape_cast %get3A_472 : vector<1x16xf32> to vector<16xf32>
        %mul3A_474 = arith.mulf %get3A_473, %gather3A_469 : vector<16xf32>
        %swap3A_475 = arith.index_cast %add3A_465 : i32 to index
        %swap3A_476 = arith.constant 0 : index
        %swap3A_477 = tpu.vector_load %arg9[%swap3A_475, %swap3A_476] {strides = array<i32>} : memref<512x64xf32, #tpu.memory_space<vmem>>, vector<1x16xf32>,
        %swap3A_478 = vector.shape_cast %swap3A_477 : vector<1x16xf32> to vector<16xf32>
        %swap3A_479 = vector.shape_cast %mul3A_474 : vector<16xf32> to vector<1x16xf32>
        tpu.vector_store %arg9[%swap3A_475, %swap3A_476], %swap3A_479 {strides = array<i32>} : memref<512x64xf32, #tpu.memory_space<vmem>>, vector<1x16xf32>,
        %get3A_480 = arith.index_cast %add3A_465 : i32 to index
        %get3A_481 = arith.constant 16 : index
        %get3A_482 = tpu.vector_load %arg9[%get3A_480, %get3A_481] {strides = array<i32>} : memref<512x64xf32, #tpu.memory_space<vmem>>, vector<1x16xf32>,
        %get3A_483 = vector.shape_cast %get3A_482 : vector<1x16xf32> to vector<16xf32>
        %mul3A_484 = arith.mulf %get3A_483, %gather3A_469 : vector<16xf32>
        %swap3A_485 = arith.index_cast %add3A_465 : i32 to index
        %swap3A_486 = arith.constant 16 : index
        %swap3A_487 = tpu.vector_load %arg9[%swap3A_485, %swap3A_486] {strides = array<i32>} : memref<512x64xf32, #tpu.memory_space<vmem>>, vector<1x16xf32>,
        %swap3A_488 = vector.shape_cast %swap3A_487 : vector<1x16xf32> to vector<16xf32>
        %swap3A_489 = vector.shape_cast %mul3A_484 : vector<16xf32> to vector<1x16xf32>
        tpu.vector_store %arg9[%swap3A_485, %swap3A_486], %swap3A_489 {strides = array<i32>} : memref<512x64xf32, #tpu.memory_space<vmem>>, vector<1x16xf32>,
        %get3A_490 = arith.index_cast %add3A_465 : i32 to index
        %get3A_491 = arith.constant 32 : index
        %get3A_492 = tpu.vector_load %arg9[%get3A_490, %get3A_491] {strides = array<i32>} : memref<512x64xf32, #tpu.memory_space<vmem>>, vector<1x16xf32>,
        %get3A_493 = vector.shape_cast %get3A_492 : vector<1x16xf32> to vector<16xf32>
        %mul3A_494 = arith.mulf %get3A_493, %gather3A_469 : vector<16xf32>
        %swap3A_495 = arith.index_cast %add3A_465 : i32 to index
        %swap3A_496 = arith.constant 32 : index
        %swap3A_497 = tpu.vector_load %arg9[%swap3A_495, %swap3A_496] {strides = array<i32>} : memref<512x64xf32, #tpu.memory_space<vmem>>, vector<1x16xf32>,
        %swap3A_498 = vector.shape_cast %swap3A_497 : vector<1x16xf32> to vector<16xf32>
        %swap3A_499 = vector.shape_cast %mul3A_494 : vector<16xf32> to vector<1x16xf32>
        tpu.vector_store %arg9[%swap3A_495, %swap3A_496], %swap3A_499 {strides = array<i32>} : memref<512x64xf32, #tpu.memory_space<vmem>>, vector<1x16xf32>,
        %get3A_500 = arith.index_cast %add3A_465 : i32 to index
        %get3A_501 = arith.constant 48 : index
        %get3A_502 = tpu.vector_load %arg9[%get3A_500, %get3A_501] {strides = array<i32>} : memref<512x64xf32, #tpu.memory_space<vmem>>, vector<1x16xf32>,
        %get3A_503 = vector.shape_cast %get3A_502 : vector<1x16xf32> to vector<16xf32>
        %mul3A_504 = arith.mulf %get3A_503, %gather3A_469 : vector<16xf32>
        %swap3A_505 = arith.index_cast %add3A_465 : i32 to index
        %swap3A_506 = arith.constant 48 : index
        %swap3A_507 = tpu.vector_load %arg9[%swap3A_505, %swap3A_506] {strides = array<i32>} : memref<512x64xf32, #tpu.memory_space<vmem>>, vector<1x16xf32>,
        %swap3A_508 = vector.shape_cast %swap3A_507 : vector<1x16xf32> to vector<16xf32>
        %swap3A_509 = vector.shape_cast %mul3A_504 : vector<16xf32> to vector<1x16xf32>
        tpu.vector_store %arg9[%swap3A_505, %swap3A_506], %swap3A_509 {strides = array<i32>} : memref<512x64xf32, #tpu.memory_space<vmem>>, vector<1x16xf32>,
        %mul3A_510 = arith.constant 16 : i32
        %mul3A_511 = arith.muli %scan3A_28, %mul3A_510 : i32
        %add3A_512 = arith.constant 10 : i32
        %add3A_513 = arith.addi %mul3A_511, %add3A_512 : i32
        %broadcast_in_dim3A_514 = arith.constant 10 : i32
        %broadcast_in_dim3A_515 = vector.broadcast %broadcast_in_dim3A_514 : i32 to vector<16x1xi32>
        %gather3A_516 = vector.shape_cast %broadcast_in_dim3A_515 : vector<16x1xi32> to vector<16xi32>
        %gather3A_517 = tpu.dynamic_gather %convert_element_type3A[%gather3A_516] in [0] : vector<16xf32>, vector<16xi32> -> vector<16xf32>
        %get3A_518 = arith.index_cast %add3A_513 : i32 to index
        %get3A_519 = arith.constant 0 : index
        %get3A_520 = tpu.vector_load %arg9[%get3A_518, %get3A_519] {strides = array<i32>} : memref<512x64xf32, #tpu.memory_space<vmem>>, vector<1x16xf32>,
        %get3A_521 = vector.shape_cast %get3A_520 : vector<1x16xf32> to vector<16xf32>
        %mul3A_522 = arith.mulf %get3A_521, %gather3A_517 : vector<16xf32>
        %swap3A_523 = arith.index_cast %add3A_513 : i32 to index
        %swap3A_524 = arith.constant 0 : index
        %swap3A_525 = tpu.vector_load %arg9[%swap3A_523, %swap3A_524] {strides = array<i32>} : memref<512x64xf32, #tpu.memory_space<vmem>>, vector<1x16xf32>,
        %swap3A_526 = vector.shape_cast %swap3A_525 : vector<1x16xf32> to vector<16xf32>
        %swap3A_527 = vector.shape_cast %mul3A_522 : vector<16xf32> to vector<1x16xf32>
        tpu.vector_store %arg9[%swap3A_523, %swap3A_524], %swap3A_527 {strides = array<i32>} : memref<512x64xf32, #tpu.memory_space<vmem>>, vector<1x16xf32>,
        %get3A_528 = arith.index_cast %add3A_513 : i32 to index
        %get3A_529 = arith.constant 16 : index
        %get3A_530 = tpu.vector_load %arg9[%get3A_528, %get3A_529] {strides = array<i32>} : memref<512x64xf32, #tpu.memory_space<vmem>>, vector<1x16xf32>,
        %get3A_531 = vector.shape_cast %get3A_530 : vector<1x16xf32> to vector<16xf32>
        %mul3A_532 = arith.mulf %get3A_531, %gather3A_517 : vector<16xf32>
        %swap3A_533 = arith.index_cast %add3A_513 : i32 to index
        %swap3A_534 = arith.constant 16 : index
        %swap3A_535 = tpu.vector_load %arg9[%swap3A_533, %swap3A_534] {strides = array<i32>} : memref<512x64xf32, #tpu.memory_space<vmem>>, vector<1x16xf32>,
        %swap3A_536 = vector.shape_cast %swap3A_535 : vector<1x16xf32> to vector<16xf32>
        %swap3A_537 = vector.shape_cast %mul3A_532 : vector<16xf32> to vector<1x16xf32>
        tpu.vector_store %arg9[%swap3A_533, %swap3A_534], %swap3A_537 {strides = array<i32>} : memref<512x64xf32, #tpu.memory_space<vmem>>, vector<1x16xf32>,
        %get3A_538 = arith.index_cast %add3A_513 : i32 to index
        %get3A_539 = arith.constant 32 : index
        %get3A_540 = tpu.vector_load %arg9[%get3A_538, %get3A_539] {strides = array<i32>} : memref<512x64xf32, #tpu.memory_space<vmem>>, vector<1x16xf32>,
        %get3A_541 = vector.shape_cast %get3A_540 : vector<1x16xf32> to vector<16xf32>
        %mul3A_542 = arith.mulf %get3A_541, %gather3A_517 : vector<16xf32>
        %swap3A_543 = arith.index_cast %add3A_513 : i32 to index
        %swap3A_544 = arith.constant 32 : index
        %swap3A_545 = tpu.vector_load %arg9[%swap3A_543, %swap3A_544] {strides = array<i32>} : memref<512x64xf32, #tpu.memory_space<vmem>>, vector<1x16xf32>,
        %swap3A_546 = vector.shape_cast %swap3A_545 : vector<1x16xf32> to vector<16xf32>
        %swap3A_547 = vector.shape_cast %mul3A_542 : vector<16xf32> to vector<1x16xf32>
        tpu.vector_store %arg9[%swap3A_543, %swap3A_544], %swap3A_547 {strides = array<i32>} : memref<512x64xf32, #tpu.memory_space<vmem>>, vector<1x16xf32>,
        %get3A_548 = arith.index_cast %add3A_513 : i32 to index
        %get3A_549 = arith.constant 48 : index
        %get3A_550 = tpu.vector_load %arg9[%get3A_548, %get3A_549] {strides = array<i32>} : memref<512x64xf32, #tpu.memory_space<vmem>>, vector<1x16xf32>,
        %get3A_551 = vector.shape_cast %get3A_550 : vector<1x16xf32> to vector<16xf32>
        %mul3A_552 = arith.mulf %get3A_551, %gather3A_517 : vector<16xf32>
        %swap3A_553 = arith.index_cast %add3A_513 : i32 to index
        %swap3A_554 = arith.constant 48 : index
        %swap3A_555 = tpu.vector_load %arg9[%swap3A_553, %swap3A_554] {strides = array<i32>} : memref<512x64xf32, #tpu.memory_space<vmem>>, vector<1x16xf32>,
        %swap3A_556 = vector.shape_cast %swap3A_555 : vector<1x16xf32> to vector<16xf32>
        %swap3A_557 = vector.shape_cast %mul3A_552 : vector<16xf32> to vector<1x16xf32>
        tpu.vector_store %arg9[%swap3A_553, %swap3A_554], %swap3A_557 {strides = array<i32>} : memref<512x64xf32, #tpu.memory_space<vmem>>, vector<1x16xf32>,
        %mul3A_558 = arith.constant 16 : i32
        %mul3A_559 = arith.muli %scan3A_28, %mul3A_558 : i32
        %add3A_560 = arith.constant 11 : i32
        %add3A_561 = arith.addi %mul3A_559, %add3A_560 : i32
        %broadcast_in_dim3A_562 = arith.constant 11 : i32
        %broadcast_in_dim3A_563 = vector.broadcast %broadcast_in_dim3A_562 : i32 to vector<16x1xi32>
        %gather3A_564 = vector.shape_cast %broadcast_in_dim3A_563 : vector<16x1xi32> to vector<16xi32>
        %gather3A_565 = tpu.dynamic_gather %convert_element_type3A[%gather3A_564] in [0] : vector<16xf32>, vector<16xi32> -> vector<16xf32>
        %get3A_566 = arith.index_cast %add3A_561 : i32 to index
        %get3A_567 = arith.constant 0 : index
        %get3A_568 = tpu.vector_load %arg9[%get3A_566, %get3A_567] {strides = array<i32>} : memref<512x64xf32, #tpu.memory_space<vmem>>, vector<1x16xf32>,
        %get3A_569 = vector.shape_cast %get3A_568 : vector<1x16xf32> to vector<16xf32>
        %mul3A_570 = arith.mulf %get3A_569, %gather3A_565 : vector<16xf32>
        %swap3A_571 = arith.index_cast %add3A_561 : i32 to index
        %swap3A_572 = arith.constant 0 : index
        %swap3A_573 = tpu.vector_load %arg9[%swap3A_571, %swap3A_572] {strides = array<i32>} : memref<512x64xf32, #tpu.memory_space<vmem>>, vector<1x16xf32>,
        %swap3A_574 = vector.shape_cast %swap3A_573 : vector<1x16xf32> to vector<16xf32>
        %swap3A_575 = vector.shape_cast %mul3A_570 : vector<16xf32> to vector<1x16xf32>
        tpu.vector_store %arg9[%swap3A_571, %swap3A_572], %swap3A_575 {strides = array<i32>} : memref<512x64xf32, #tpu.memory_space<vmem>>, vector<1x16xf32>,
        %get3A_576 = arith.index_cast %add3A_561 : i32 to index
        %get3A_577 = arith.constant 16 : index
        %get3A_578 = tpu.vector_load %arg9[%get3A_576, %get3A_577] {strides = array<i32>} : memref<512x64xf32, #tpu.memory_space<vmem>>, vector<1x16xf32>,
        %get3A_579 = vector.shape_cast %get3A_578 : vector<1x16xf32> to vector<16xf32>
        %mul3A_580 = arith.mulf %get3A_579, %gather3A_565 : vector<16xf32>
        %swap3A_581 = arith.index_cast %add3A_561 : i32 to index
        %swap3A_582 = arith.constant 16 : index
        %swap3A_583 = tpu.vector_load %arg9[%swap3A_581, %swap3A_582] {strides = array<i32>} : memref<512x64xf32, #tpu.memory_space<vmem>>, vector<1x16xf32>,
        %swap3A_584 = vector.shape_cast %swap3A_583 : vector<1x16xf32> to vector<16xf32>
        %swap3A_585 = vector.shape_cast %mul3A_580 : vector<16xf32> to vector<1x16xf32>
        tpu.vector_store %arg9[%swap3A_581, %swap3A_582], %swap3A_585 {strides = array<i32>} : memref<512x64xf32, #tpu.memory_space<vmem>>, vector<1x16xf32>,
        %get3A_586 = arith.index_cast %add3A_561 : i32 to index
        %get3A_587 = arith.constant 32 : index
        %get3A_588 = tpu.vector_load %arg9[%get3A_586, %get3A_587] {strides = array<i32>} : memref<512x64xf32, #tpu.memory_space<vmem>>, vector<1x16xf32>,
        %get3A_589 = vector.shape_cast %get3A_588 : vector<1x16xf32> to vector<16xf32>
        %mul3A_590 = arith.mulf %get3A_589, %gather3A_565 : vector<16xf32>
        %swap3A_591 = arith.index_cast %add3A_561 : i32 to index
        %swap3A_592 = arith.constant 32 : index
        %swap3A_593 = tpu.vector_load %arg9[%swap3A_591, %swap3A_592] {strides = array<i32>} : memref<512x64xf32, #tpu.memory_space<vmem>>, vector<1x16xf32>,
        %swap3A_594 = vector.shape_cast %swap3A_593 : vector<1x16xf32> to vector<16xf32>
        %swap3A_595 = vector.shape_cast %mul3A_590 : vector<16xf32> to vector<1x16xf32>
        tpu.vector_store %arg9[%swap3A_591, %swap3A_592], %swap3A_595 {strides = array<i32>} : memref<512x64xf32, #tpu.memory_space<vmem>>, vector<1x16xf32>,
        %get3A_596 = arith.index_cast %add3A_561 : i32 to index
        %get3A_597 = arith.constant 48 : index
        %get3A_598 = tpu.vector_load %arg9[%get3A_596, %get3A_597] {strides = array<i32>} : memref<512x64xf32, #tpu.memory_space<vmem>>, vector<1x16xf32>,
        %get3A_599 = vector.shape_cast %get3A_598 : vector<1x16xf32> to vector<16xf32>
        %mul3A_600 = arith.mulf %get3A_599, %gather3A_565 : vector<16xf32>
        %swap3A_601 = arith.index_cast %add3A_561 : i32 to index
        %swap3A_602 = arith.constant 48 : index
        %swap3A_603 = tpu.vector_load %arg9[%swap3A_601, %swap3A_602] {strides = array<i32>} : memref<512x64xf32, #tpu.memory_space<vmem>>, vector<1x16xf32>,
        %swap3A_604 = vector.shape_cast %swap3A_603 : vector<1x16xf32> to vector<16xf32>
        %swap3A_605 = vector.shape_cast %mul3A_600 : vector<16xf32> to vector<1x16xf32>
        tpu.vector_store %arg9[%swap3A_601, %swap3A_602], %swap3A_605 {strides = array<i32>} : memref<512x64xf32, #tpu.memory_space<vmem>>, vector<1x16xf32>,
        %mul3A_606 = arith.constant 16 : i32
        %mul3A_607 = arith.muli %scan3A_28, %mul3A_606 : i32
        %add3A_608 = arith.constant 12 : i32
        %add3A_609 = arith.addi %mul3A_607, %add3A_608 : i32
        %broadcast_in_dim3A_610 = arith.constant 12 : i32
        %broadcast_in_dim3A_611 = vector.broadcast %broadcast_in_dim3A_610 : i32 to vector<16x1xi32>
        %gather3A_612 = vector.shape_cast %broadcast_in_dim3A_611 : vector<16x1xi32> to vector<16xi32>
        %gather3A_613 = tpu.dynamic_gather %convert_element_type3A[%gather3A_612] in [0] : vector<16xf32>, vector<16xi32> -> vector<16xf32>
        %get3A_614 = arith.index_cast %add3A_609 : i32 to index
        %get3A_615 = arith.constant 0 : index
        %get3A_616 = tpu.vector_load %arg9[%get3A_614, %get3A_615] {strides = array<i32>} : memref<512x64xf32, #tpu.memory_space<vmem>>, vector<1x16xf32>,
        %get3A_617 = vector.shape_cast %get3A_616 : vector<1x16xf32> to vector<16xf32>
        %mul3A_618 = arith.mulf %get3A_617, %gather3A_613 : vector<16xf32>
        %swap3A_619 = arith.index_cast %add3A_609 : i32 to index
        %swap3A_620 = arith.constant 0 : index
        %swap3A_621 = tpu.vector_load %arg9[%swap3A_619, %swap3A_620] {strides = array<i32>} : memref<512x64xf32, #tpu.memory_space<vmem>>, vector<1x16xf32>,
        %swap3A_622 = vector.shape_cast %swap3A_621 : vector<1x16xf32> to vector<16xf32>
        %swap3A_623 = vector.shape_cast %mul3A_618 : vector<16xf32> to vector<1x16xf32>
        tpu.vector_store %arg9[%swap3A_619, %swap3A_620], %swap3A_623 {strides = array<i32>} : memref<512x64xf32, #tpu.memory_space<vmem>>, vector<1x16xf32>,
        %get3A_624 = arith.index_cast %add3A_609 : i32 to index
        %get3A_625 = arith.constant 16 : index
        %get3A_626 = tpu.vector_load %arg9[%get3A_624, %get3A_625] {strides = array<i32>} : memref<512x64xf32, #tpu.memory_space<vmem>>, vector<1x16xf32>,
        %get3A_627 = vector.shape_cast %get3A_626 : vector<1x16xf32> to vector<16xf32>
        %mul3A_628 = arith.mulf %get3A_627, %gather3A_613 : vector<16xf32>
        %swap3A_629 = arith.index_cast %add3A_609 : i32 to index
        %swap3A_630 = arith.constant 16 : index
        %swap3A_631 = tpu.vector_load %arg9[%swap3A_629, %swap3A_630] {strides = array<i32>} : memref<512x64xf32, #tpu.memory_space<vmem>>, vector<1x16xf32>,
        %swap3A_632 = vector.shape_cast %swap3A_631 : vector<1x16xf32> to vector<16xf32>
        %swap3A_633 = vector.shape_cast %mul3A_628 : vector<16xf32> to vector<1x16xf32>
        tpu.vector_store %arg9[%swap3A_629, %swap3A_630], %swap3A_633 {strides = array<i32>} : memref<512x64xf32, #tpu.memory_space<vmem>>, vector<1x16xf32>,
        %get3A_634 = arith.index_cast %add3A_609 : i32 to index
        %get3A_635 = arith.constant 32 : index
        %get3A_636 = tpu.vector_load %arg9[%get3A_634, %get3A_635] {strides = array<i32>} : memref<512x64xf32, #tpu.memory_space<vmem>>, vector<1x16xf32>,
        %get3A_637 = vector.shape_cast %get3A_636 : vector<1x16xf32> to vector<16xf32>
        %mul3A_638 = arith.mulf %get3A_637, %gather3A_613 : vector<16xf32>
        %swap3A_639 = arith.index_cast %add3A_609 : i32 to index
        %swap3A_640 = arith.constant 32 : index
        %swap3A_641 = tpu.vector_load %arg9[%swap3A_639, %swap3A_640] {strides = array<i32>} : memref<512x64xf32, #tpu.memory_space<vmem>>, vector<1x16xf32>,
        %swap3A_642 = vector.shape_cast %swap3A_641 : vector<1x16xf32> to vector<16xf32>
        %swap3A_643 = vector.shape_cast %mul3A_638 : vector<16xf32> to vector<1x16xf32>
        tpu.vector_store %arg9[%swap3A_639, %swap3A_640], %swap3A_643 {strides = array<i32>} : memref<512x64xf32, #tpu.memory_space<vmem>>, vector<1x16xf32>,
        %get3A_644 = arith.index_cast %add3A_609 : i32 to index
        %get3A_645 = arith.constant 48 : index
        %get3A_646 = tpu.vector_load %arg9[%get3A_644, %get3A_645] {strides = array<i32>} : memref<512x64xf32, #tpu.memory_space<vmem>>, vector<1x16xf32>,
        %get3A_647 = vector.shape_cast %get3A_646 : vector<1x16xf32> to vector<16xf32>
        %mul3A_648 = arith.mulf %get3A_647, %gather3A_613 : vector<16xf32>
        %swap3A_649 = arith.index_cast %add3A_609 : i32 to index
        %swap3A_650 = arith.constant 48 : index
        %swap3A_651 = tpu.vector_load %arg9[%swap3A_649, %swap3A_650] {strides = array<i32>} : memref<512x64xf32, #tpu.memory_space<vmem>>, vector<1x16xf32>,
        %swap3A_652 = vector.shape_cast %swap3A_651 : vector<1x16xf32> to vector<16xf32>
        %swap3A_653 = vector.shape_cast %mul3A_648 : vector<16xf32> to vector<1x16xf32>
        tpu.vector_store %arg9[%swap3A_649, %swap3A_650], %swap3A_653 {strides = array<i32>} : memref<512x64xf32, #tpu.memory_space<vmem>>, vector<1x16xf32>,
        %mul3A_654 = arith.constant 16 : i32
        %mul3A_655 = arith.muli %scan3A_28, %mul3A_654 : i32
        %add3A_656 = arith.constant 13 : i32
        %add3A_657 = arith.addi %mul3A_655, %add3A_656 : i32
        %broadcast_in_dim3A_658 = arith.constant 13 : i32
        %broadcast_in_dim3A_659 = vector.broadcast %broadcast_in_dim3A_658 : i32 to vector<16x1xi32>
        %gather3A_660 = vector.shape_cast %broadcast_in_dim3A_659 : vector<16x1xi32> to vector<16xi32>
        %gather3A_661 = tpu.dynamic_gather %convert_element_type3A[%gather3A_660] in [0] : vector<16xf32>, vector<16xi32> -> vector<16xf32>
        %get3A_662 = arith.index_cast %add3A_657 : i32 to index
        %get3A_663 = arith.constant 0 : index
        %get3A_664 = tpu.vector_load %arg9[%get3A_662, %get3A_663] {strides = array<i32>} : memref<512x64xf32, #tpu.memory_space<vmem>>, vector<1x16xf32>,
        %get3A_665 = vector.shape_cast %get3A_664 : vector<1x16xf32> to vector<16xf32>
        %mul3A_666 = arith.mulf %get3A_665, %gather3A_661 : vector<16xf32>
        %swap3A_667 = arith.index_cast %add3A_657 : i32 to index
        %swap3A_668 = arith.constant 0 : index
        %swap3A_669 = tpu.vector_load %arg9[%swap3A_667, %swap3A_668] {strides = array<i32>} : memref<512x64xf32, #tpu.memory_space<vmem>>, vector<1x16xf32>,
        %swap3A_670 = vector.shape_cast %swap3A_669 : vector<1x16xf32> to vector<16xf32>
        %swap3A_671 = vector.shape_cast %mul3A_666 : vector<16xf32> to vector<1x16xf32>
        tpu.vector_store %arg9[%swap3A_667, %swap3A_668], %swap3A_671 {strides = array<i32>} : memref<512x64xf32, #tpu.memory_space<vmem>>, vector<1x16xf32>,
        %get3A_672 = arith.index_cast %add3A_657 : i32 to index
        %get3A_673 = arith.constant 16 : index
        %get3A_674 = tpu.vector_load %arg9[%get3A_672, %get3A_673] {strides = array<i32>} : memref<512x64xf32, #tpu.memory_space<vmem>>, vector<1x16xf32>,
        %get3A_675 = vector.shape_cast %get3A_674 : vector<1x16xf32> to vector<16xf32>
        %mul3A_676 = arith.mulf %get3A_675, %gather3A_661 : vector<16xf32>
        %swap3A_677 = arith.index_cast %add3A_657 : i32 to index
        %swap3A_678 = arith.constant 16 : index
        %swap3A_679 = tpu.vector_load %arg9[%swap3A_677, %swap3A_678] {strides = array<i32>} : memref<512x64xf32, #tpu.memory_space<vmem>>, vector<1x16xf32>,
        %swap3A_680 = vector.shape_cast %swap3A_679 : vector<1x16xf32> to vector<16xf32>
        %swap3A_681 = vector.shape_cast %mul3A_676 : vector<16xf32> to vector<1x16xf32>
        tpu.vector_store %arg9[%swap3A_677, %swap3A_678], %swap3A_681 {strides = array<i32>} : memref<512x64xf32, #tpu.memory_space<vmem>>, vector<1x16xf32>,
        %get3A_682 = arith.index_cast %add3A_657 : i32 to index
        %get3A_683 = arith.constant 32 : index
        %get3A_684 = tpu.vector_load %arg9[%get3A_682, %get3A_683] {strides = array<i32>} : memref<512x64xf32, #tpu.memory_space<vmem>>, vector<1x16xf32>,
        %get3A_685 = vector.shape_cast %get3A_684 : vector<1x16xf32> to vector<16xf32>
        %mul3A_686 = arith.mulf %get3A_685, %gather3A_661 : vector<16xf32>
        %swap3A_687 = arith.index_cast %add3A_657 : i32 to index
        %swap3A_688 = arith.constant 32 : index
        %swap3A_689 = tpu.vector_load %arg9[%swap3A_687, %swap3A_688] {strides = array<i32>} : memref<512x64xf32, #tpu.memory_space<vmem>>, vector<1x16xf32>,
        %swap3A_690 = vector.shape_cast %swap3A_689 : vector<1x16xf32> to vector<16xf32>
        %swap3A_691 = vector.shape_cast %mul3A_686 : vector<16xf32> to vector<1x16xf32>
        tpu.vector_store %arg9[%swap3A_687, %swap3A_688], %swap3A_691 {strides = array<i32>} : memref<512x64xf32, #tpu.memory_space<vmem>>, vector<1x16xf32>,
        %get3A_692 = arith.index_cast %add3A_657 : i32 to index
        %get3A_693 = arith.constant 48 : index
        %get3A_694 = tpu.vector_load %arg9[%get3A_692, %get3A_693] {strides = array<i32>} : memref<512x64xf32, #tpu.memory_space<vmem>>, vector<1x16xf32>,
        %get3A_695 = vector.shape_cast %get3A_694 : vector<1x16xf32> to vector<16xf32>
        %mul3A_696 = arith.mulf %get3A_695, %gather3A_661 : vector<16xf32>
        %swap3A_697 = arith.index_cast %add3A_657 : i32 to index
        %swap3A_698 = arith.constant 48 : index
        %swap3A_699 = tpu.vector_load %arg9[%swap3A_697, %swap3A_698] {strides = array<i32>} : memref<512x64xf32, #tpu.memory_space<vmem>>, vector<1x16xf32>,
        %swap3A_700 = vector.shape_cast %swap3A_699 : vector<1x16xf32> to vector<16xf32>
        %swap3A_701 = vector.shape_cast %mul3A_696 : vector<16xf32> to vector<1x16xf32>
        tpu.vector_store %arg9[%swap3A_697, %swap3A_698], %swap3A_701 {strides = array<i32>} : memref<512x64xf32, #tpu.memory_space<vmem>>, vector<1x16xf32>,
        %mul3A_702 = arith.constant 16 : i32
        %mul3A_703 = arith.muli %scan3A_28, %mul3A_702 : i32
        %add3A_704 = arith.constant 14 : i32
        %add3A_705 = arith.addi %mul3A_703, %add3A_704 : i32
        %broadcast_in_dim3A_706 = arith.constant 14 : i32
        %broadcast_in_dim3A_707 = vector.broadcast %broadcast_in_dim3A_706 : i32 to vector<16x1xi32>
        %gather3A_708 = vector.shape_cast %broadcast_in_dim3A_707 : vector<16x1xi32> to vector<16xi32>
        %gather3A_709 = tpu.dynamic_gather %convert_element_type3A[%gather3A_708] in [0] : vector<16xf32>, vector<16xi32> -> vector<16xf32>
        %get3A_710 = arith.index_cast %add3A_705 : i32 to index
        %get3A_711 = arith.constant 0 : index
        %get3A_712 = tpu.vector_load %arg9[%get3A_710, %get3A_711] {strides = array<i32>} : memref<512x64xf32, #tpu.memory_space<vmem>>, vector<1x16xf32>,
        %get3A_713 = vector.shape_cast %get3A_712 : vector<1x16xf32> to vector<16xf32>
        %mul3A_714 = arith.mulf %get3A_713, %gather3A_709 : vector<16xf32>
        %swap3A_715 = arith.index_cast %add3A_705 : i32 to index
        %swap3A_716 = arith.constant 0 : index
        %swap3A_717 = tpu.vector_load %arg9[%swap3A_715, %swap3A_716] {strides = array<i32>} : memref<512x64xf32, #tpu.memory_space<vmem>>, vector<1x16xf32>,
        %swap3A_718 = vector.shape_cast %swap3A_717 : vector<1x16xf32> to vector<16xf32>
        %swap3A_719 = vector.shape_cast %mul3A_714 : vector<16xf32> to vector<1x16xf32>
        tpu.vector_store %arg9[%swap3A_715, %swap3A_716], %swap3A_719 {strides = array<i32>} : memref<512x64xf32, #tpu.memory_space<vmem>>, vector<1x16xf32>,
        %get3A_720 = arith.index_cast %add3A_705 : i32 to index
        %get3A_721 = arith.constant 16 : index
        %get3A_722 = tpu.vector_load %arg9[%get3A_720, %get3A_721] {strides = array<i32>} : memref<512x64xf32, #tpu.memory_space<vmem>>, vector<1x16xf32>,
        %get3A_723 = vector.shape_cast %get3A_722 : vector<1x16xf32> to vector<16xf32>
        %mul3A_724 = arith.mulf %get3A_723, %gather3A_709 : vector<16xf32>
        %swap3A_725 = arith.index_cast %add3A_705 : i32 to index
        %swap3A_726 = arith.constant 16 : index
        %swap3A_727 = tpu.vector_load %arg9[%swap3A_725, %swap3A_726] {strides = array<i32>} : memref<512x64xf32, #tpu.memory_space<vmem>>, vector<1x16xf32>,
        %swap3A_728 = vector.shape_cast %swap3A_727 : vector<1x16xf32> to vector<16xf32>
        %swap3A_729 = vector.shape_cast %mul3A_724 : vector<16xf32> to vector<1x16xf32>
        tpu.vector_store %arg9[%swap3A_725, %swap3A_726], %swap3A_729 {strides = array<i32>} : memref<512x64xf32, #tpu.memory_space<vmem>>, vector<1x16xf32>,
        %get3A_730 = arith.index_cast %add3A_705 : i32 to index
        %get3A_731 = arith.constant 32 : index
        %get3A_732 = tpu.vector_load %arg9[%get3A_730, %get3A_731] {strides = array<i32>} : memref<512x64xf32, #tpu.memory_space<vmem>>, vector<1x16xf32>,
        %get3A_733 = vector.shape_cast %get3A_732 : vector<1x16xf32> to vector<16xf32>
        %mul3A_734 = arith.mulf %get3A_733, %gather3A_709 : vector<16xf32>
        %swap3A_735 = arith.index_cast %add3A_705 : i32 to index
        %swap3A_736 = arith.constant 32 : index
        %swap3A_737 = tpu.vector_load %arg9[%swap3A_735, %swap3A_736] {strides = array<i32>} : memref<512x64xf32, #tpu.memory_space<vmem>>, vector<1x16xf32>,
        %swap3A_738 = vector.shape_cast %swap3A_737 : vector<1x16xf32> to vector<16xf32>
        %swap3A_739 = vector.shape_cast %mul3A_734 : vector<16xf32> to vector<1x16xf32>
        tpu.vector_store %arg9[%swap3A_735, %swap3A_736], %swap3A_739 {strides = array<i32>} : memref<512x64xf32, #tpu.memory_space<vmem>>, vector<1x16xf32>,
        %get3A_740 = arith.index_cast %add3A_705 : i32 to index
        %get3A_741 = arith.constant 48 : index
        %get3A_742 = tpu.vector_load %arg9[%get3A_740, %get3A_741] {strides = array<i32>} : memref<512x64xf32, #tpu.memory_space<vmem>>, vector<1x16xf32>,
        %get3A_743 = vector.shape_cast %get3A_742 : vector<1x16xf32> to vector<16xf32>
        %mul3A_744 = arith.mulf %get3A_743, %gather3A_709 : vector<16xf32>
        %swap3A_745 = arith.index_cast %add3A_705 : i32 to index
        %swap3A_746 = arith.constant 48 : index
        %swap3A_747 = tpu.vector_load %arg9[%swap3A_745, %swap3A_746] {strides = array<i32>} : memref<512x64xf32, #tpu.memory_space<vmem>>, vector<1x16xf32>,
        %swap3A_748 = vector.shape_cast %swap3A_747 : vector<1x16xf32> to vector<16xf32>
        %swap3A_749 = vector.shape_cast %mul3A_744 : vector<16xf32> to vector<1x16xf32>
        tpu.vector_store %arg9[%swap3A_745, %swap3A_746], %swap3A_749 {strides = array<i32>} : memref<512x64xf32, #tpu.memory_space<vmem>>, vector<1x16xf32>,
        %mul3A_750 = arith.constant 16 : i32
        %mul3A_751 = arith.muli %scan3A_28, %mul3A_750 : i32
        %add3A_752 = arith.constant 15 : i32
        %add3A_753 = arith.addi %mul3A_751, %add3A_752 : i32
        %broadcast_in_dim3A_754 = arith.constant 15 : i32
        %broadcast_in_dim3A_755 = vector.broadcast %broadcast_in_dim3A_754 : i32 to vector<16x1xi32>
        %gather3A_756 = vector.shape_cast %broadcast_in_dim3A_755 : vector<16x1xi32> to vector<16xi32>
        %gather3A_757 = tpu.dynamic_gather %convert_element_type3A[%gather3A_756] in [0] : vector<16xf32>, vector<16xi32> -> vector<16xf32>
        %get3A_758 = arith.index_cast %add3A_753 : i32 to index
        %get3A_759 = arith.constant 0 : index
        %get3A_760 = tpu.vector_load %arg9[%get3A_758, %get3A_759] {strides = array<i32>} : memref<512x64xf32, #tpu.memory_space<vmem>>, vector<1x16xf32>,
        %get3A_761 = vector.shape_cast %get3A_760 : vector<1x16xf32> to vector<16xf32>
        %mul3A_762 = arith.mulf %get3A_761, %gather3A_757 : vector<16xf32>
        %swap3A_763 = arith.index_cast %add3A_753 : i32 to index
        %swap3A_764 = arith.constant 0 : index
        %swap3A_765 = tpu.vector_load %arg9[%swap3A_763, %swap3A_764] {strides = array<i32>} : memref<512x64xf32, #tpu.memory_space<vmem>>, vector<1x16xf32>,
        %swap3A_766 = vector.shape_cast %swap3A_765 : vector<1x16xf32> to vector<16xf32>
        %swap3A_767 = vector.shape_cast %mul3A_762 : vector<16xf32> to vector<1x16xf32>
        tpu.vector_store %arg9[%swap3A_763, %swap3A_764], %swap3A_767 {strides = array<i32>} : memref<512x64xf32, #tpu.memory_space<vmem>>, vector<1x16xf32>,
        %get3A_768 = arith.index_cast %add3A_753 : i32 to index
        %get3A_769 = arith.constant 16 : index
        %get3A_770 = tpu.vector_load %arg9[%get3A_768, %get3A_769] {strides = array<i32>} : memref<512x64xf32, #tpu.memory_space<vmem>>, vector<1x16xf32>,
        %get3A_771 = vector.shape_cast %get3A_770 : vector<1x16xf32> to vector<16xf32>
        %mul3A_772 = arith.mulf %get3A_771, %gather3A_757 : vector<16xf32>
        %swap3A_773 = arith.index_cast %add3A_753 : i32 to index
        %swap3A_774 = arith.constant 16 : index
        %swap3A_775 = tpu.vector_load %arg9[%swap3A_773, %swap3A_774] {strides = array<i32>} : memref<512x64xf32, #tpu.memory_space<vmem>>, vector<1x16xf32>,
        %swap3A_776 = vector.shape_cast %swap3A_775 : vector<1x16xf32> to vector<16xf32>
        %swap3A_777 = vector.shape_cast %mul3A_772 : vector<16xf32> to vector<1x16xf32>
        tpu.vector_store %arg9[%swap3A_773, %swap3A_774], %swap3A_777 {strides = array<i32>} : memref<512x64xf32, #tpu.memory_space<vmem>>, vector<1x16xf32>,
        %get3A_778 = arith.index_cast %add3A_753 : i32 to index
        %get3A_779 = arith.constant 32 : index
        %get3A_780 = tpu.vector_load %arg9[%get3A_778, %get3A_779] {strides = array<i32>} : memref<512x64xf32, #tpu.memory_space<vmem>>, vector<1x16xf32>,
        %get3A_781 = vector.shape_cast %get3A_780 : vector<1x16xf32> to vector<16xf32>
        %mul3A_782 = arith.mulf %get3A_781, %gather3A_757 : vector<16xf32>
        %swap3A_783 = arith.index_cast %add3A_753 : i32 to index
        %swap3A_784 = arith.constant 32 : index
        %swap3A_785 = tpu.vector_load %arg9[%swap3A_783, %swap3A_784] {strides = array<i32>} : memref<512x64xf32, #tpu.memory_space<vmem>>, vector<1x16xf32>,
        %swap3A_786 = vector.shape_cast %swap3A_785 : vector<1x16xf32> to vector<16xf32>
        %swap3A_787 = vector.shape_cast %mul3A_782 : vector<16xf32> to vector<1x16xf32>
        tpu.vector_store %arg9[%swap3A_783, %swap3A_784], %swap3A_787 {strides = array<i32>} : memref<512x64xf32, #tpu.memory_space<vmem>>, vector<1x16xf32>,
        %get3A_788 = arith.index_cast %add3A_753 : i32 to index
        %get3A_789 = arith.constant 48 : index
        %get3A_790 = tpu.vector_load %arg9[%get3A_788, %get3A_789] {strides = array<i32>} : memref<512x64xf32, #tpu.memory_space<vmem>>, vector<1x16xf32>,
        %get3A_791 = vector.shape_cast %get3A_790 : vector<1x16xf32> to vector<16xf32>
        %mul3A_792 = arith.mulf %get3A_791, %gather3A_757 : vector<16xf32>
        %swap3A_793 = arith.index_cast %add3A_753 : i32 to index
        %swap3A_794 = arith.constant 48 : index
        %swap3A_795 = tpu.vector_load %arg9[%swap3A_793, %swap3A_794] {strides = array<i32>} : memref<512x64xf32, #tpu.memory_space<vmem>>, vector<1x16xf32>,
        %swap3A_796 = vector.shape_cast %swap3A_795 : vector<1x16xf32> to vector<16xf32>
        %swap3A_797 = vector.shape_cast %mul3A_792 : vector<16xf32> to vector<1x16xf32>
        tpu.vector_store %arg9[%swap3A_793, %swap3A_794], %swap3A_797 {strides = array<i32>} : memref<512x64xf32, #tpu.memory_space<vmem>>, vector<1x16xf32>,
      }
      %scan3A_27 = arith.constant 32 : i32
      "tpu.region"() ({
        %run_scoped3A = tpu.sem_alloc : memref<!tpu.dma_semaphore, #tpu.memory_space<semaphore_mem>>
        %dma_start3A_28 = arith.constant 0 : i32
        %dma_start3A_29 = tpu.memref_slice %arg5[%add3A_11, %dma_start3A_28] : memref<819200x64xf32, #tpu.memory_space<hbm>> -> memref<512x64xf32, #tpu.memory_space<hbm>>
        %dma_start3A_30 = arith.constant 0 : i32
        %dma_start3A_31 = tpu.memref_slice %arg5[%add3A_11, %dma_start3A_30] : memref<819200x64xf32, #tpu.memory_space<hbm>> -> memref<512x64xf32, #tpu.memory_space<hbm>>
        tpu.enqueue_dma source(%arg9 : memref<512x64xf32, #tpu.memory_space<vmem>>) target(%dma_start3A_31 : memref<512x64xf32, #tpu.memory_space<hbm>>) target_semaphore(%run_scoped3A : memref<!tpu.dma_semaphore, #tpu.memory_space<semaphore_mem>>)
        %dma_wait3A_32 = arith.constant 0 : i32
        %dma_wait3A_33 = tpu.memref_slice %arg5[%add3A_11, %dma_wait3A_32] : memref<819200x64xf32, #tpu.memory_space<hbm>> -> memref<512x64xf32, #tpu.memory_space<hbm>>
        %dma_wait3A_34 = arith.constant 0 : i32
        %dma_wait3A_35 = tpu.memref_slice %arg5[%add3A_11, %dma_wait3A_34] : memref<819200x64xf32, #tpu.memory_space<hbm>> -> memref<512x64xf32, #tpu.memory_space<hbm>>
        tpu.wait_dma2 semaphore(%run_scoped3A : memref<!tpu.dma_semaphore, #tpu.memory_space<semaphore_mem>>) src(%arg9 : memref<512x64xf32, #tpu.memory_space<vmem>>) dst(%dma_wait3A_35 : memref<512x64xf32, #tpu.memory_space<hbm>>)
        tpu.yield
      }) : () -> ()
    }
    %scan3A_7 = arith.constant 50 : i32
    return
  }
}

</mosaic_0001>

<sc_bundles>
// kernel: kernel.3.cloned.1.call-start
scs
__scs_entry_jumppad:
0x0: {  	(pc) =	sbr.rel $0x88, $3  }
0x1: {  	(tag) =	ssettag $0x0;
	lr =	simm.s32 $0x1  }
0x2: {  	[smem:$0x3F9E] =	sst lr;
	_ =	strace $0xD0000000  }
0x3: {  	_ = 	snop  }
0x4: {  	_ = 	snop  }
0x5: {  	_ = 	snop  }
0x6: {  	_ = 	snop  }
0x7: {  	_ = 	snop  }
__scs_overlays_trampoline_lowered:
0x8: {  	[smem:$0x3FAD] =	sst s0  }
0x9: {  	[smem:$0x3FAE] =	sst s1  }
0xa: {  	[smem:$0x3FAF] =	sst s2  }
0xb: {  	[smem:$0x3FB0] =	sst s3  }
0xc: {  	[smem:$0x3FB1] =	sst s4  }
0xd: {  	[smem:$0x3FB2] =	sst s5  }
0xe: {  	[smem:$0x3FB3] =	sst s6  }
0xf: {  	[smem:$0x3FB4] =	sst s7  }
0x10: {  	[smem:$0x3FB5] =	sst s8  }
0x11: {  	[smem:$0x3FB6] =	sst s9;
	s0 =	simm.s32 @!p0 $0x0  }
0x12: {  	s1 =	sld [smem:$0x3F9C];
	s0 =	simm.s32 @p0 $0x1  }
0x13: {  	[smem:$0x3FB7] =	sst s0;
	s0 =	simm.s32 @!p1 $0x0  }
0x14: {  	s2 =	sld [smem:$0x3F9B];
	s0 =	simm.s32 @p1 $0x1  }
0x15: {  	[smem:$0x3FB8] =	sst s0;
	s0 =	simm.s32 @!p2 $0x0  }
0x16: {  	s3 =	sld [smem:$0x3FDB];
	s0 =	simm.s32 @p2 $0x1  }
0x17: {  	s4 =	simm.s32 $0x1BF5;
	[smem:$0x3FBA] =	sst s0  }
0x18: {  	s0 =	sld [smem:$0x3F9D];
	_ =	swait.ge [sflag:s4], $0x0  }
0x19: {  	s7 =	sld [smem:$0x3F9E]  }
0x1a: {  	s8 =	sadd.s32 $0xFFFFE003, lr  }
0x1b: {  	s9 =	sadd.s32 $0xFFFFFEF7, lr;
	s5 =	simm.s32 $0xFFFFFFFF;
	p2 =	slt.u32 s8, $0xFFFFF086  }
0x1c: {  	p1 =	slt.u32 s9, $0xF7A;
	s5 =	simm.s32 @!p2 $0x0  }
0x1d: {  	s5 =	simm.s32 @p1 $0x1;
	p0 =	seq.s32 s7, s2  }
0x1e: {  	s7 =	smul.u32 @!p0 $0xF7A, s2;
	p2 =	seq.s32 @!p0 s5, $0x0  }
0x1f: {  	s9 =	smul.u32 $0xF7A, s1;
	s8 =	simm.s32 @!p0 $0x1BF5;
	p2 =	por !p2, p0  }
0x20: {  	[sflag:s8] =	ssyncset.s32 @!p0 $0xFFFFF086;
	s6 =	sadd.s32 @!p0 s3, s7;
	s7 =	simm.s32 @!p0 $0x108  }
0x21: {  	s3 =	sadd.s32 s3, s9;
	s6 =	sadd.s32 @!p0 $0x88, s6;
	s7 =	simm.s32 @p2 $0x1082  }
0x22: {  	[simem:s7], [sflag:s8] =	dma.local @!p0 [hbm:s6], $0xF7A  }
0x23: {  	s9 =	sor.u32 $0xD0000000, s2;
	s6 =	simm.s32 $0x108;
	_ =	swait.ge @!p0 [sflag:s8], $0x0  }
0x24: {  	s3 =	sadd.s32 $0x88, s3;
	s6 =	simm.s32 @!p1 $0x1082;
	[sflag:s4] =	ssyncset.s32 $0xFFFFF086  }
0x25: {  	[simem:s6], [sflag:s4] =	dma.local [hbm:s3], $0xF7A  }
0x26: {  	[smem:$0x3F9E] =	sst s1;
	(tag) =	ssettag s2;
	_ =	strace s9  }
0x27: {  	s1 =	sld [smem:$0x3FAE]  }
0x28: {  	s2 =	sld [smem:$0x3FAF]  }
0x29: {  	s4 =	sld [smem:$0x3FB1]  }
0x2a: {  	p0 =	seq.s32 s5, $0x0;
	s5 =	sld [smem:$0x3FB2]  }
0x2b: {  	s6 =	sld [smem:$0x3FB3]  }
0x2c: {  	s7 =	sld [smem:$0x3FB4]  }
0x2d: {  	s3 =	simm.s32 $0x108;
	s8 =	sld [smem:$0x3FB5]  }
0x2e: {  	s3 =	simm.s32 @!p0 $0x1082;
	s9 =	sld [smem:$0x3FB6]  }
0x2f: {  	lr =	sadd.s32 s0, s3;
	s0 =	sld [smem:$0x3FAD]  }
0x30: {  	s3 =	sld [smem:$0x3FB0]  }
0x31: {  	[smem:$0x3FB9] =	sst s10  }
0x32: {  	s10 =	sld [smem:$0x3FB7];
	_ =	sdelay $0x3  }
0x33: {  	p0 =	seq.s32 s10, $0x1;
	s10 =	sld [smem:$0x3FB9];
	_ =	sdelay $0x3  }
0x34: {  	[smem:$0x3FB9] =	sst s10  }
0x35: {  	s10 =	sld [smem:$0x3FB8];
	_ =	sdelay $0x3  }
0x36: {  	p1 =	seq.s32 s10, $0x1;
	s10 =	sld [smem:$0x3FB9];
	_ =	sdelay $0x3  }
0x37: {  	[smem:$0x3FB9] =	sst s10  }
0x38: {  	s10 =	sld [smem:$0x3FBA]  }
0x39: {  	_ = 	snop;
	(pc) =	sbr.ind lr, $3  }
0x3a: {  	_ = 	snop  }
0x3b: {  	_ = 	snop  }
0x3c: {  	p2 =	seq.s32 s10, $0x1;
	s10 =	sld [smem:$0x3FB9]  }
0x3d: {  	_ =	shalt  }
0x3e: {  	_ =	shalt  }
0x3f: {  	_ =	shalt  }
0x40: {  	_ =	shalt  }
0x41: {  	_ =	shalt  }
0x42: {  	_ =	shalt  }
0x43: {  	_ =	shalt  }
0x44: {  	_ =	shalt  }
0x45: {  	_ =	shalt  }
0x46: {  	_ =	shalt  }
0x47: {  	_ =	shalt  }
0x48: {  	_ =	shalt  }
0x49: {  	_ =	shalt  }
0x4a: {  	_ =	shalt  }
0x4b: {  	_ =	shalt  }
0x4c: {  	_ =	shalt  }
0x4d: {  	_ =	shalt  }
0x4e: {  	_ =	shalt  }
0x4f: {  	_ =	shalt  }
0x50: {  	_ =	shalt  }
0x51: {  	_ =	shalt  }
0x52: {  	_ =	shalt  }
0x53: {  	_ =	shalt  }
0x54: {  	_ =	shalt  }
0x55: {  	_ =	shalt  }
0x56: {  	_ =	shalt  }
0x57: {  	_ =	shalt  }
0x58: {  	_ =	shalt  }
0x59: {  	_ =	shalt  }
0x5a: {  	_ =	shalt  }
0x5b: {  	_ =	shalt  }
0x5c: {  	_ =	shalt  }
0x5d: {  	_ =	shalt  }
0x5e: {  	_ =	shalt  }
0x5f: {  	_ =	shalt  }
0x60: {  	_ =	shalt  }
0x61: {  	_ =	shalt  }
0x62: {  	_ =	shalt  }
0x63: {  	_ =	shalt  }
0x64: {  	_ =	shalt  }
0x65: {  	_ =	shalt  }
0x66: {  	_ =	shalt  }
0x67: {  	_ =	shalt  }
0x68: {  	_ =	shalt  }
0x69: {  	_ =	shalt  }
0x6a: {  	_ =	shalt  }
0x6b: {  	_ =	shalt  }
0x6c: {  	_ =	shalt  }
0x6d: {  	_ =	shalt  }
0x6e: {  	_ =	shalt  }
0x6f: {  	_ =	shalt  }
0x70: {  	_ =	shalt  }
0x71: {  	_ =	shalt  }
0x72: {  	_ =	shalt  }
0x73: {  	_ =	shalt  }
0x74: {  	_ =	shalt  }
0x75: {  	_ =	shalt  }
0x76: {  	_ =	shalt  }
0x77: {  	_ =	shalt  }
0x78: {  	_ =	shalt  }
0x79: {  	_ =	shalt  }
0x7a: {  	_ =	shalt  }
0x7b: {  	_ =	shalt  }
0x7c: {  	_ =	shalt  }
0x7d: {  	_ =	shalt  }
0x7e: {  	_ =	shalt  }
0x7f: {  	_ =	shalt  }
0x80: {  	_ =	shalt  }
0x81: {  	_ =	shalt  }
0x82: {  	_ =	shalt  }
0x83: {  	_ =	shalt  }
0x84: {  	_ =	shalt  }
0x85: {  	_ =	shalt  }
0x86: {  	_ =	shalt  }
0x87: {  	_ =	shalt  }
.Lfunc_end0:
.L_simem_size_0:
called_computation.1_lowered:
.L_overlay_start_0:
0x88: {  	s2 =	sld [smem:$0x3FD9]  }
0x89: {  	s3 =	sld [smem:$0x3FFE];
	_ =	sdelay $0x1  }
0x8a: {  	s1 =	srdreg.scid  }
0x8b: {  	s0 =	sand.u32 $0x1, s1  }
0x8c: {  	s17 =	sshll.u32 s0, $0xA;
	s2 =	sadd.s32 s3, s2  }
0x8d: {  	s2 =	sadd.s32 s2, s17  }
0x8e: {  	[smem:$0x3FC5] =	sst s2  }
0x8f: {  	_ = 	snop  }
0x90: {  	s2 =	sld [smem:$0x3FD0];
	(tm) =	ssettm $0x1  }
0x91: {  	s18 =	sld [smem:$0x3FFB];
	_ =	sdelay $0x3  }
0x92: {  	_ =	strace s18  }
0x93: {  	s3 =	sld [smem:$0x3FFC];
	_ =	sdelay $0x3  }
0x94: {  	_ =	strace s3  }
0x95: {  	s3 =	sld [smem:$0x3FFD];
	_ =	sdelay $0x3  }
0x96: {  	_ =	strace s3  }
0x97: {  	_ =	strace $0x8FFFFFFF  }
0x98: {  	s19 =	sld [smem:$0x3FDB];
	_ =	sdelay $0x1  }
0x99: {  	s4 =	simm.s32 $_scs_section_size  }
0x9a: {  	s5 =	simm.s32 $_size__tile_overlayer_lowered;
	s6 =	simm.s32 $_tile_overlayer_lowered  }
0x9b: {  	s22 =	simm.s32 $0x1BFF;
	s21 =	sshll.u32 s6, $0x1;
	s3 =	sadd.s32 s4, s19  }
0x9c: {  	s7 =	simm.s32 $0x0;
	s20 =	sshll.u32 s5, $0x1;
	s5 =	sadd.s32 s21, s3  }
0x9d: {  	[timem:s7], [sflag:s22] =	dma.local [hbm:s5], s20  }
0x9e: {  	_ =	swait.ge [sflag:s22], s20  }
0x9f: {  	s4 =	ssub.s32 $0x0, s20;
	[sflag:s22] =	ssyncset.done $0x0  }
0xa0: {  	[sflag:s22] =	ssyncadd.s32 s4;
	_ =	sdelay $0x1  }
0xa1: {  	s23 =	simm.s32 $0x1B8B  }
0xa2: {  	_ =	swait.ge [sflag:s23], $0x1  }
0xa3: {  	[sflag:s23] =	ssyncset.done $0x0  }
0xa4: {  	s25 =	simm.s32 $0x1B8E;
	s24 =	sld [smem:$0x3FFE];
	[sflag:s23] =	ssyncadd.s32 $0xFFFFFFFF  }
0xa5: {  	s26 =	simm.s32 $execute0_lowered;
	[smem:$0x3FD2] =	sst s25  }
0xa6: {  	s5 =	sshll.u32 s26, $0x1;
	_ =	strace $0x80000046;
	[dreg:$0x1] =	wrdreg $0xFFFFFFFF  }
0xa7: {  	s28 =	simm.s32 $_size_execute0_lowered;
	s3 =	sadd.s32 s3, s5;
	[dreg:$0x0] =	wrdreg $0x0  }
0xa8: {  	s5 =	sshll.u32 s28, $0x1;
	[dreg:$0x2] =	wrdreg s3  }
0xa9: {  	[dreg:$0x3] =	wrdreg s5  }
0xaa: {  	[dreg:$0x4] =	wrdreg $0xC0  }
0xab: {  	_ =	task [dreg:s7], $0x5FFFF  }
0xac: {  	[dreg:$0x1] =	wrdreg $0xFFFFFFFF  }
0xad: {  	[dreg:$0x0] =	wrdreg $0x60  }
0xae: {  	[dreg:$0x2] =	wrdreg s24  }
0xaf: {  	[dreg:$0x3] =	wrdreg s2  }
0xb0: {  	[dreg:$0x4] =	wrdreg $0x9  }
0xb1: {  	_ =	task.clear_ibuf [dreg:s7], $0x5FFFF;
	_ =	strace $0x90000046  }
0xb2: {  	s29 =	simm.s32 $0x9;
	_ =	strace $0x80000048  }
0xb3: {  	_ =	swait.ge [sflag:s29], $0x1  }
0xb4: {  	[sflag:s29] =	ssyncadd.s32 $0xFFFFFFFF  }
0xb5: {  	_ =	strace $0x90000048  }
0xb6: {  	_ =	sfence  }
0xb7: {  	s30 =	sld [smem:$0x0];
	_ =	sdelay $0x2  }
0xb8: {  	s31 =	sshll.u32 s1, $0xD;
	s1 =	sshrl.u32 s1, $0x2  }
0xb9: {  	s3 =	sand.u32 $0x4000, s31;
	s1 =	sadd.s32 s1, s30  }
0xba: {  	s0 =	sor.u32 s3, s0;
	s1 =	sshll.u32 s1, $0x11  }
0xbb: {  	s0 =	sor.u32 s1, s0  }
0xbc: {  	s0 =	sadd.s32 $0x8F2B, s0  }
0xbd: {  	[sflag:s0] =	ssyncadd.remote.s32 $0x1  }
0xbe: {  	_ =	sfence.sel $0xFFFF  }
0xbf: {  	[dreg:$0x0] =	wrdreg $0xFFFFFFFF;
	(pc) =	sbr.abs _section_cstart, $3  }
0xc0: {  	[dreg:$0x1] =	wrdreg $0xFFFFFFFF  }
0xc1: {  	_ =	task.clear_ibuf [dreg:s7], $0x2FFFF;
	_ =	strace $0x9FFFFFFF  }
0xc2: {  	(tm) =	ssettm $0x7FFFFFFF  }
0xc3: {  	_ =	shalt  }
tec
execute0_lowered:
.L_overlay_start_1:
0x0: {  	(tag) =	ssettag $0x1  }
0x1: {  	s6 =	rddreg [dreg:$0x0]  }
0x2: {  	s1 =	rddreg [dreg:$0x1]  }
0x3: {  	s0 =	rddreg [dreg:$0x2];
	s2 =	simm.s32 $0x0  }
0x4: {  	s3 =	srdreg.scid;
	s11 =	simm.s32 $0x400;
	s12 =	simm.s32 $0x600  }
0x5: {  	v0 =	vimm.s32 $0x0;
	s13 =	simm.s32 $0x1;
	s14 =	simm.s32 $0x0;
	[smem:$0x7FF] =	sst s2  }
0x6: {  	v1 =	vimm.s32 $0x1;
	v2 =	vimm.s32 $0x2;
	v3 =	vimm.s32 $0x3;
	s7 =	sand.u32 $0x1, s3;
	s3 =	stileid.u32;
	s4 =	sadd.s32 $0x19C00, s6  }
0x7: {  	v4 =	vimm.s32 $0x4;
	v5 =	vimm.s32 $0x5;
	v6 =	vimm.s32 $0x6;
	s5 =	sadd.s32 $0xC00, s6;
	s6 =	sadd.s32 $0xF43000, s6;
	s8 =	ssub.s32 $0x2, s7  }
0x8: {  	v7 =	vimm.s32 $0x7;
	v8 =	vimm.s32 $0x8;
	v9 =	vimm.s32 $0x9;
	_ =	strace $0x80000047;
	s10 =	sshll.u32 s3, $0x1;
	s9 =	sshrl.u32 s8, $0x1  }
0x9: {  	v10 =	vimm.s32 $0xA;
	v11 =	vimm.s32 $0xB;
	v12 =	vimm.s32 $0xC;
	s7 =	sor.u32 s7, s10;
	s10 =	simm.s32 $0x200;
	s8 =	ssub.s32 s8, s9  }
0xa: {  	v13 =	vimm.s32 $0xD;
	v14 =	vimm.s32 $0xE;
	v15 =	vimm.s32 $0xF;
	s7 =	smul.u32 $0x6400, s7;
	s9 =	simm.s32 $0x2;
	s8 =	smax.u32 s8, $0x1  }
.LBB2_1:
0xb: {  	s15 =	simm.s32 $0x0  }
.LBB2_2:
0xc: {  	s16 =	sshll.u32 s15, $0x9  }
0xd: {  	s16 =	sadd.s32 s7, s16  }
0xe: {  	s17 =	sshrl.u32 s16, $0x3  }
0xf: {  	s19 =	simm.s32 $0x0;
	s18 =	sadd.s32 s4, s17  }
0x10: {  	[tilespmem:s19], [sflag:$0x2] =	stream.linear.gather [hbm4b:s18+s19], $0x200, $0x38;
	[tilespmem:$0x8600] =	vst v63  }
0x11: {  	_ =	swait.ge [sflag:s9], $0x200  }
0x12: {  	[sflag:s9] =	ssyncset.done $0x0  }
0x13: {  	s17 =	sadd.s32 s5, s17;
	[sflag:s9] =	ssyncadd.s32 $0xFFFFFE00  }
0x14: {  	[tilespmem:s10], [sflag:$0x2] =	stream.linear.gather [hbm4b:s17+s19], $0x200, $0x38;
	[tilespmem:$0x8600] =	vst v63  }
0x15: {  	_ =	swait.ge [sflag:s9], $0x200  }
0x16: {  	[sflag:s9] =	ssyncset.done $0x0  }
0x17: {  	s17 =	simm.s32 $0x0;
	[sflag:s9] =	ssyncadd.s32 $0xFFFFFE00  }
0x18: {  	v16 =	vld [tilespmem:s17+$0x0]  }
0x19: {  	s18 =	simm.s32 $0x40;
	v17 =	vld [tilespmem:s17+$0x200]  }
.LBB2_3:
0x1a: {  	_ = 	snop  }
0x1b: {  	p0 =	sne.s32 s18, $0x7C0  }
.Ltmp0:
0x1c: {  	_ = 	snop;
	(pc) =	sbr.rel @p0 .LBB2_3-.Ltmp0, $4  }
0x1d: {  	_ = 	snop  }
0x1e: {  	s19 =	sshra.s32 s18, $0x2;
	v18 =	vmul.u32 v16, v17  }
0x1f: {  	v16 =	vld [tilespmem:s19+$0x0]  }
0x20: {  	s18 =	sadd.s32 $0x40, s18;
	v17 =	vld [tilespmem:s19+$0x200];
	[tilespmem:s17+$0x400] =	vst v18;
	s17 =	smov.u32 s19  }
0x21: {  	_ =	sdelay $0x3  }
0x22: {  	v16 =	vmul.u32 v16, v17;
	_ =	sdelay $0x1  }
0x23: {  	[tilespmem:s17+$0x400] =	vst v16  }
0x24: {  	[tilespmem:s12], [sflag:$0x1] =	stream.indirect.gather [hbm4b:s6+s10], $0x40, s11, s10, $0xb8;
	[tilespmem:$0x8600] =	vst v63  }
0x25: {  	_ =	swait.ge [sflag:s13], $0x8000  }
0x26: {  	[sflag:s13] =	ssyncset.done $0x0  }
0x27: {  	s18 =	simm.s32 $0x800;
	s17 =	simm.s32 $0x0;
	[sflag:s13] =	ssyncadd.s32 $0xFFFF8000  }
.LBB2_5:
0x28: {  	s19 =	sshra.s32 s17, $0x2  }
0x29: {  	v16 =	vld [tilespmem:s19+$0x200];
	_ =	sdelay $0x3  }
0x2a: {  	v17 =	vld [tilespmem:s18+$0xFFFFFE00]  }
0x2b: {  	v16 =	vcvt.s32.f32 v16;
	_ =	sdelay $0x1  }
0x2c: {  	v18 =	vperm.xlane v16, v0;
	_ =	sdelay $0x1  }
0x2d: {  	v17 =	vmul.f32 v17, v18;
	_ =	sdelay $0x1  }
0x2e: {  	[tilespmem:s18+$0xFFFFFE00] =	vst v17;
	v17 =	vld [tilespmem:s18+$0xFFFFFE10];
	_ =	sdelay $0x4  }
0x2f: {  	v17 =	vmul.f32 v17, v18;
	_ =	sdelay $0x1  }
0x30: {  	[tilespmem:s18+$0xFFFFFE10] =	vst v17;
	v17 =	vld [tilespmem:s18+$0xFFFFFE20];
	_ =	sdelay $0x4  }
0x31: {  	v17 =	vmul.f32 v17, v18;
	_ =	sdelay $0x1  }
0x32: {  	[tilespmem:s18+$0xFFFFFE20] =	vst v17;
	v17 =	vld [tilespmem:s18+$0xFFFFFE30];
	_ =	sdelay $0x4  }
0x33: {  	v17 =	vmul.f32 v17, v18;
	_ =	sdelay $0x1  }
0x34: {  	[tilespmem:s18+$0xFFFFFE30] =	vst v17;
	v17 =	vld [tilespmem:s18+$0xFFFFFE40];
	_ =	sdelay $0x2  }
0x35: {  	v50 =	vperm.xlane v16, v1;
	_ =	sdelay $0x1  }
0x36: {  	v17 =	vmul.f32 v17, v50;
	_ =	sdelay $0x1  }
0x37: {  	[tilespmem:s18+$0xFFFFFE40] =	vst v17;
	v17 =	vld [tilespmem:s18+$0xFFFFFE50];
	_ =	sdelay $0x4  }
0x38: {  	v17 =	vmul.f32 v17, v50;
	_ =	sdelay $0x1  }
0x39: {  	[tilespmem:s18+$0xFFFFFE50] =	vst v17;
	v17 =	vld [tilespmem:s18+$0xFFFFFE60];
	_ =	sdelay $0x4  }
0x3a: {  	v17 =	vmul.f32 v17, v50;
	_ =	sdelay $0x1  }
0x3b: {  	[tilespmem:s18+$0xFFFFFE60] =	vst v17;
	v17 =	vld [tilespmem:s18+$0xFFFFFE70];
	_ =	sdelay $0x4  }
0x3c: {  	v17 =	vmul.f32 v17, v50;
	_ =	sdelay $0x1  }
0x3d: {  	[tilespmem:s18+$0xFFFFFE70] =	vst v17;
	v17 =	vld [tilespmem:s18+$0xFFFFFE80];
	_ =	sdelay $0x2  }
0x3e: {  	v51 =	vperm.xlane v16, v2;
	_ =	sdelay $0x1  }
0x3f: {  	v17 =	vmul.f32 v17, v51;
	_ =	sdelay $0x1  }
0x40: {  	[tilespmem:s18+$0xFFFFFE80] =	vst v17;
	v17 =	vld [tilespmem:s18+$0xFFFFFE90];
	_ =	sdelay $0x4  }
0x41: {  	v17 =	vmul.f32 v17, v51;
	_ =	sdelay $0x1  }
0x42: {  	[tilespmem:s18+$0xFFFFFE90] =	vst v17;
	v17 =	vld [tilespmem:s18+$0xFFFFFEA0];
	_ =	sdelay $0x4  }
0x43: {  	v17 =	vmul.f32 v17, v51;
	_ =	sdelay $0x1  }
0x44: {  	[tilespmem:s18+$0xFFFFFEA0] =	vst v17;
	v17 =	vld [tilespmem:s18+$0xFFFFFEB0];
	_ =	sdelay $0x4  }
0x45: {  	v17 =	vmul.f32 v17, v51;
	_ =	sdelay $0x1  }
0x46: {  	[tilespmem:s18+$0xFFFFFEB0] =	vst v17;
	v17 =	vld [tilespmem:s18+$0xFFFFFEC0];
	_ =	sdelay $0x2  }
0x47: {  	v52 =	vperm.xlane v16, v3;
	_ =	sdelay $0x1  }
0x48: {  	v17 =	vmul.f32 v17, v52;
	_ =	sdelay $0x1  }
0x49: {  	[tilespmem:s18+$0xFFFFFEC0] =	vst v17;
	v17 =	vld [tilespmem:s18+$0xFFFFFED0];
	_ =	sdelay $0x4  }
0x4a: {  	v17 =	vmul.f32 v17, v52;
	_ =	sdelay $0x1  }
0x4b: {  	[tilespmem:s18+$0xFFFFFED0] =	vst v17;
	v17 =	vld [tilespmem:s18+$0xFFFFFEE0];
	_ =	sdelay $0x4  }
0x4c: {  	v17 =	vmul.f32 v17, v52;
	_ =	sdelay $0x1  }
0x4d: {  	[tilespmem:s18+$0xFFFFFEE0] =	vst v17;
	v17 =	vld [tilespmem:s18+$0xFFFFFEF0];
	_ =	sdelay $0x4  }
0x4e: {  	v17 =	vmul.f32 v17, v52;
	_ =	sdelay $0x1  }
0x4f: {  	[tilespmem:s18+$0xFFFFFEF0] =	vst v17;
	v17 =	vld [tilespmem:s18+$0xFFFFFF00];
	_ =	sdelay $0x2  }
0x50: {  	v53 =	vperm.xlane v16, v4;
	_ =	sdelay $0x1  }
0x51: {  	v17 =	vmul.f32 v17, v53;
	_ =	sdelay $0x1  }
0x52: {  	[tilespmem:s18+$0xFFFFFF00] =	vst v17;
	v17 =	vld [tilespmem:s18+$0xFFFFFF10];
	_ =	sdelay $0x4  }
0x53: {  	v17 =	vmul.f32 v17, v53;
	_ =	sdelay $0x1  }
0x54: {  	[tilespmem:s18+$0xFFFFFF10] =	vst v17;
	v17 =	vld [tilespmem:s18+$0xFFFFFF20];
	_ =	sdelay $0x4  }
0x55: {  	v17 =	vmul.f32 v17, v53;
	_ =	sdelay $0x1  }
0x56: {  	[tilespmem:s18+$0xFFFFFF20] =	vst v17;
	v17 =	vld [tilespmem:s18+$0xFFFFFF30];
	_ =	sdelay $0x4  }
0x57: {  	v17 =	vmul.f32 v17, v53;
	_ =	sdelay $0x1  }
0x58: {  	[tilespmem:s18+$0xFFFFFF30] =	vst v17;
	v17 =	vld [tilespmem:s18+$0xFFFFFF40];
	_ =	sdelay $0x2  }
0x59: {  	v54 =	vperm.xlane v16, v5;
	_ =	sdelay $0x1  }
0x5a: {  	v17 =	vmul.f32 v17, v54;
	_ =	sdelay $0x1  }
0x5b: {  	[tilespmem:s18+$0xFFFFFF40] =	vst v17;
	v17 =	vld [tilespmem:s18+$0xFFFFFF50];
	_ =	sdelay $0x4  }
0x5c: {  	v17 =	vmul.f32 v17, v54;
	_ =	sdelay $0x1  }
0x5d: {  	[tilespmem:s18+$0xFFFFFF50] =	vst v17;
	v17 =	vld [tilespmem:s18+$0xFFFFFF60];
	_ =	sdelay $0x4  }
0x5e: {  	v17 =	vmul.f32 v17, v54;
	_ =	sdelay $0x1  }
0x5f: {  	[tilespmem:s18+$0xFFFFFF60] =	vst v17;
	v17 =	vld [tilespmem:s18+$0xFFFFFF70];
	_ =	sdelay $0x4  }
0x60: {  	v17 =	vmul.f32 v17, v54;
	_ =	sdelay $0x1  }
0x61: {  	[tilespmem:s18+$0xFFFFFF70] =	vst v17;
	v17 =	vld [tilespmem:s18+$0xFFFFFF80];
	_ =	sdelay $0x2  }
0x62: {  	v55 =	vperm.xlane v16, v6;
	_ =	sdelay $0x1  }
0x63: {  	v17 =	vmul.f32 v17, v55;
	_ =	sdelay $0x1  }
0x64: {  	[tilespmem:s18+$0xFFFFFF80] =	vst v17;
	v17 =	vld [tilespmem:s18+$0xFFFFFF90];
	_ =	sdelay $0x4  }
0x65: {  	v17 =	vmul.f32 v17, v55;
	_ =	sdelay $0x1  }
0x66: {  	[tilespmem:s18+$0xFFFFFF90] =	vst v17;
	v17 =	vld [tilespmem:s18+$0xFFFFFFA0];
	_ =	sdelay $0x4  }
0x67: {  	v17 =	vmul.f32 v17, v55;
	_ =	sdelay $0x1  }
0x68: {  	[tilespmem:s18+$0xFFFFFFA0] =	vst v17;
	v17 =	vld [tilespmem:s18+$0xFFFFFFB0];
	_ =	sdelay $0x4  }
0x69: {  	v17 =	vmul.f32 v17, v55;
	_ =	sdelay $0x1  }
0x6a: {  	[tilespmem:s18+$0xFFFFFFB0] =	vst v17;
	v17 =	vld [tilespmem:s18+$0xFFFFFFC0];
	_ =	sdelay $0x2  }
0x6b: {  	v56 =	vperm.xlane v16, v7;
	_ =	sdelay $0x1  }
0x6c: {  	v17 =	vmul.f32 v17, v56;
	_ =	sdelay $0x1  }
0x6d: {  	[tilespmem:s18+$0xFFFFFFC0] =	vst v17;
	v17 =	vld [tilespmem:s18+$0xFFFFFFD0];
	_ =	sdelay $0x4  }
0x6e: {  	v17 =	vmul.f32 v17, v56;
	_ =	sdelay $0x1  }
0x6f: {  	[tilespmem:s18+$0xFFFFFFD0] =	vst v17;
	v17 =	vld [tilespmem:s18+$0xFFFFFFE0];
	_ =	sdelay $0x4  }
0x70: {  	v17 =	vmul.f32 v17, v56;
	_ =	sdelay $0x1  }
0x71: {  	[tilespmem:s18+$0xFFFFFFE0] =	vst v17;
	v17 =	vld [tilespmem:s18+$0xFFFFFFF0];
	_ =	sdelay $0x4  }
0x72: {  	v17 =	vmul.f32 v17, v56;
	_ =	sdelay $0x1  }
0x73: {  	[tilespmem:s18+$0xFFFFFFF0] =	vst v17;
	v17 =	vld [tilespmem:s18+$0x0];
	_ =	sdelay $0x2  }
0x74: {  	v57 =	vperm.xlane v16, v8;
	_ =	sdelay $0x1  }
0x75: {  	v17 =	vmul.f32 v17, v57;
	_ =	sdelay $0x1  }
0x76: {  	[tilespmem:s18+$0x0] =	vst v17;
	v17 =	vld [tilespmem:s18+$0x10];
	_ =	sdelay $0x4  }
0x77: {  	v17 =	vmul.f32 v17, v57;
	_ =	sdelay $0x1  }
0x78: {  	[tilespmem:s18+$0x10] =	vst v17;
	v17 =	vld [tilespmem:s18+$0x20];
	_ =	sdelay $0x4  }
0x79: {  	v17 =	vmul.f32 v17, v57;
	_ =	sdelay $0x1  }
0x7a: {  	[tilespmem:s18+$0x20] =	vst v17;
	v17 =	vld [tilespmem:s18+$0x30];
	_ =	sdelay $0x4  }
0x7b: {  	v17 =	vmul.f32 v17, v57;
	_ =	sdelay $0x1  }
0x7c: {  	[tilespmem:s18+$0x30] =	vst v17;
	v17 =	vld [tilespmem:s18+$0x40];
	_ =	sdelay $0x2  }
0x7d: {  	v58 =	vperm.xlane v16, v9;
	_ =	sdelay $0x1  }
0x7e: {  	v17 =	vmul.f32 v17, v58;
	_ =	sdelay $0x1  }
0x7f: {  	[tilespmem:s18+$0x40] =	vst v17;
	v17 =	vld [tilespmem:s18+$0x50];
	_ =	sdelay $0x4  }
0x80: {  	v17 =	vmul.f32 v17, v58;
	_ =	sdelay $0x1  }
0x81: {  	[tilespmem:s18+$0x50] =	vst v17;
	v17 =	vld [tilespmem:s18+$0x60];
	_ =	sdelay $0x4  }
0x82: {  	v17 =	vmul.f32 v17, v58;
	_ =	sdelay $0x1  }
0x83: {  	[tilespmem:s18+$0x60] =	vst v17;
	v17 =	vld [tilespmem:s18+$0x70];
	_ =	sdelay $0x4  }
0x84: {  	v17 =	vmul.f32 v17, v58;
	_ =	sdelay $0x1  }
0x85: {  	[tilespmem:s18+$0x70] =	vst v17;
	v17 =	vld [tilespmem:s18+$0x80];
	_ =	sdelay $0x2  }
0x86: {  	v59 =	vperm.xlane v16, v10;
	_ =	sdelay $0x1  }
0x87: {  	v17 =	vmul.f32 v17, v59;
	_ =	sdelay $0x1  }
0x88: {  	[tilespmem:s18+$0x80] =	vst v17;
	v17 =	vld [tilespmem:s18+$0x90];
	_ =	sdelay $0x4  }
0x89: {  	v17 =	vmul.f32 v17, v59;
	_ =	sdelay $0x1  }
0x8a: {  	[tilespmem:s18+$0x90] =	vst v17;
	v17 =	vld [tilespmem:s18+$0xA0];
	_ =	sdelay $0x4  }
0x8b: {  	v17 =	vmul.f32 v17, v59;
	_ =	sdelay $0x1  }
0x8c: {  	[tilespmem:s18+$0xA0] =	vst v17;
	v17 =	vld [tilespmem:s18+$0xB0];
	_ =	sdelay $0x4  }
0x8d: {  	v17 =	vmul.f32 v17, v59;
	_ =	sdelay $0x1  }
0x8e: {  	[tilespmem:s18+$0xB0] =	vst v17;
	v17 =	vld [tilespmem:s18+$0xC0];
	_ =	sdelay $0x2  }
0x8f: {  	v60 =	vperm.xlane v16, v11;
	_ =	sdelay $0x1  }
0x90: {  	v17 =	vmul.f32 v17, v60;
	_ =	sdelay $0x1  }
0x91: {  	[tilespmem:s18+$0xC0] =	vst v17;
	v17 =	vld [tilespmem:s18+$0xD0];
	_ =	sdelay $0x4  }
0x92: {  	v17 =	vmul.f32 v17, v60;
	_ =	sdelay $0x1  }
0x93: {  	[tilespmem:s18+$0xD0] =	vst v17;
	v17 =	vld [tilespmem:s18+$0xE0];
	_ =	sdelay $0x4  }
0x94: {  	v17 =	vmul.f32 v17, v60;
	_ =	sdelay $0x1  }
0x95: {  	[tilespmem:s18+$0xE0] =	vst v17;
	v17 =	vld [tilespmem:s18+$0xF0];
	_ =	sdelay $0x4  }
0x96: {  	v17 =	vmul.f32 v17, v60;
	_ =	sdelay $0x1  }
0x97: {  	[tilespmem:s18+$0xF0] =	vst v17;
	v17 =	vld [tilespmem:s18+$0x100];
	_ =	sdelay $0x2  }
0x98: {  	v61 =	vperm.xlane v16, v12;
	_ =	sdelay $0x1  }
0x99: {  	v17 =	vmul.f32 v17, v61;
	_ =	sdelay $0x1  }
0x9a: {  	[tilespmem:s18+$0x100] =	vst v17;
	v17 =	vld [tilespmem:s18+$0x110];
	_ =	sdelay $0x4  }
0x9b: {  	v17 =	vmul.f32 v17, v61;
	_ =	sdelay $0x1  }
0x9c: {  	[tilespmem:s18+$0x110] =	vst v17;
	v17 =	vld [tilespmem:s18+$0x120];
	_ =	sdelay $0x4  }
0x9d: {  	v17 =	vmul.f32 v17, v61;
	_ =	sdelay $0x1  }
0x9e: {  	[tilespmem:s18+$0x120] =	vst v17;
	v17 =	vld [tilespmem:s18+$0x130];
	_ =	sdelay $0x4  }
0x9f: {  	v17 =	vmul.f32 v17, v61;
	_ =	sdelay $0x1  }
0xa0: {  	[tilespmem:s18+$0x130] =	vst v17;
	v17 =	vld [tilespmem:s18+$0x140];
	_ =	sdelay $0x2  }
0xa1: {  	v62 =	vperm.xlane v16, v13;
	_ =	sdelay $0x1  }
0xa2: {  	v17 =	vmul.f32 v17, v62;
	_ =	sdelay $0x1  }
0xa3: {  	[tilespmem:s18+$0x140] =	vst v17;
	v17 =	vld [tilespmem:s18+$0x150];
	_ =	sdelay $0x4  }
0xa4: {  	v17 =	vmul.f32 v17, v62;
	_ =	sdelay $0x1  }
0xa5: {  	[tilespmem:s18+$0x150] =	vst v17;
	v17 =	vld [tilespmem:s18+$0x160];
	_ =	sdelay $0x4  }
0xa6: {  	v17 =	vmul.f32 v17, v62;
	_ =	sdelay $0x1  }
0xa7: {  	[tilespmem:s18+$0x160] =	vst v17;
	v17 =	vld [tilespmem:s18+$0x170];
	_ =	sdelay $0x4  }
0xa8: {  	v17 =	vmul.f32 v17, v62;
	_ =	sdelay $0x1  }
0xa9: {  	[tilespmem:s18+$0x170] =	vst v17;
	v17 =	vld [tilespmem:s18+$0x180];
	_ =	sdelay $0x2  }
0xaa: {  	v63 =	vperm.xlane v16, v14;
	_ =	sdelay $0x1  }
0xab: {  	v17 =	vmul.f32 v17, v63;
	_ =	sdelay $0x1  }
0xac: {  	[tilespmem:s18+$0x180] =	vst v17;
	v17 =	vld [tilespmem:s18+$0x190];
	_ =	sdelay $0x4  }
0xad: {  	v17 =	vmul.f32 v17, v63;
	_ =	sdelay $0x1  }
0xae: {  	[tilespmem:s18+$0x190] =	vst v17;
	v17 =	vld [tilespmem:s18+$0x1A0];
	_ =	sdelay $0x4  }
0xaf: {  	v17 =	vmul.f32 v17, v63;
	_ =	sdelay $0x1  }
0xb0: {  	[tilespmem:s18+$0x1A0] =	vst v17;
	v17 =	vld [tilespmem:s18+$0x1B0];
	_ =	sdelay $0x4  }
0xb1: {  	v17 =	vmul.f32 v17, v63;
	_ =	sdelay $0x1  }
0xb2: {  	[tilespmem:s18+$0x1B0] =	vst v17;
	v17 =	vld [tilespmem:s18+$0x1C0];
	_ =	sdelay $0x2  }
0xb3: {  	v16 =	vperm.xlane v16, v15;
	_ =	sdelay $0x1  }
0xb4: {  	v17 =	vmul.f32 v17, v16;
	_ =	sdelay $0x1  }
0xb5: {  	[tilespmem:s18+$0x1C0] =	vst v17;
	v17 =	vld [tilespmem:s18+$0x1D0];
	_ =	sdelay $0x4  }
0xb6: {  	v17 =	vmul.f32 v17, v16;
	_ =	sdelay $0x1  }
0xb7: {  	[tilespmem:s18+$0x1D0] =	vst v17;
	v17 =	vld [tilespmem:s18+$0x1E0];
	_ =	sdelay $0x4  }
0xb8: {  	v17 =	vmul.f32 v17, v16;
	_ =	sdelay $0x1  }
0xb9: {  	[tilespmem:s18+$0x1E0] =	vst v17;
	v17 =	vld [tilespmem:s18+$0x1F0];
	_ =	sdelay $0x1  }
0xba: {  	p0 =	sne.s32 s17, $0x7C0  }
.Ltmp1:
0xbb: {  	_ = 	snop;
	(pc) =	sbr.rel @p0 .LBB2_5-.Ltmp1, $3  }
0xbc: {  	_ = 	snop  }
0xbd: {  	v16 =	vmul.f32 v17, v16;
	_ =	sdelay $0x1  }
0xbe: {  	s17 =	sadd.s32 $0x40, s17;
	[tilespmem:s18+$0x1F0] =	vst v16;
	s18 =	sadd.s32 $0x400, s18  }
0xbf: {  	s15 =	sadd.s32 $0x1, s15  }
0xc0: {  	s16 =	sshll.u32 s16, $0x3;
	p0 =	sne.s32 s15, $0x32  }
.Ltmp2:
0xc1: {  	s16 =	sadd.s32 s1, s16;
	(pc) =	sbr.rel @p0 .LBB2_2-.Ltmp2, $4  }
0xc2: {  	[hbm4b:s16+s2] =	stream.linear.scatter [tilespmem:s12], [sflag:$0x2], $0x8000, $0x38;
	[tilespmem:$0x8600] =	vst v63  }
0xc3: {  	_ =	swait.ge [sflag:s9], $0x8000  }
0xc4: {  	[sflag:s9] =	ssyncset.done $0x0  }
0xc5: {  	[sflag:s9] =	ssyncadd.s32 $0xFFFF8000  }
0xc6: {  	s14 =	sadd.s32 $0x1, s14  }
0xc7: {  	p0 =	sne.s32 s14, s8  }
.Ltmp3:
0xc8: {  	_ = 	snop;
	(pc) =	sbr.rel @p0 .LBB2_1-.Ltmp3, $1  }
0xc9: {  	_ =	sdelay $0x3  }
0xca: {  	_ =	sfence.sel $0x180000  }
0xcb: {  	[bflag:$0x0] =	sbarrier.arrive $0xFFFF  }
0xcc: {  	p0 =	sne.s32 s3, $0x0;
	_ =	strace $0x90000047  }
0xcd: {  	s0 =	sadd.s32 @!p0 $0x100000, s0;
	[bflag:$0x2] =	sbarrier.arrive $0xFFFF  }
0xce: {  	[sflag:s0] =	ssyncadd.tile.s32 @!p0 $0x1;
	_ =	shalt  }
.Lfunc_end2:
_tile_overlayer_lowered:
.L_overlay_start_2:
0xcf: {  	(tag) =	ssettag $0x2  }
0xd0: {  	s0 =	rddreg [dreg:$0x0];
	s2 =	stileid.u32  }
0xd1: {  	s1 =	rddreg [dreg:$0x1];
	p0 =	sne.s32 s2, $0x0  }
0xd2: {  	s3 =	rddreg [dreg:$0x2];
	[bflag:$0x3] =	sbarrier.arrive $0xFFFF;
	s2 =	simm.s32 @!p0 $0x1C02  }
0xd3: {  	[timem:s3], [sflag:s2] =	dma.local @!p0 [hbm:s0], s1  }
0xd4: {  	s0 =	simm.s32 @!p0 $0x2  }
0xd5: {  	_ =	swait.ge @!p0 [sflag:s0], s1  }
0xd6: {  	s1 =	ssub.s32 @!p0 $0x0, s1;
	[sflag:s0] =	ssyncset.done @!p0 $0x0  }
0xd7: {  	[sflag:s0] =	ssyncadd.s32 @!p0 s1  }
0xd8: {  	[bflag:$0x3] =	sbarrier.arrive $0xFFFF  }
0xd9: {  	_ =	shalt  }

// kernel: sparse-core-data-format-call.cloned.1.call-start
scs
called_computation_lowered:
.L_overlay_start_0:
0x0: {  	s2 =	sld [smem:$0x3FD9]  }
0x1: {  	s3 =	sld [smem:$0x3FFE];
	_ =	sdelay $0x1  }
0x2: {  	s1 =	srdreg.scid  }
0x3: {  	s0 =	sand.u32 $0x1, s1  }
0x4: {  	s18 =	sshll.u32 s0, $0xA;
	s2 =	sadd.s32 s3, s2  }
0x5: {  	s2 =	sadd.s32 s2, s18  }
0x6: {  	[smem:$0x3FC5] =	sst s2  }
0x7: {  	_ = 	snop  }
0x8: {  	s2 =	sld [smem:$0x3FD0];
	(tm) =	ssettm $0x1  }
0x9: {  	s19 =	sld [smem:$0x3FFB];
	_ =	sdelay $0x3  }
0xa: {  	_ =	strace s19  }
0xb: {  	s3 =	sld [smem:$0x3FFC];
	_ =	sdelay $0x3  }
0xc: {  	_ =	strace s3  }
0xd: {  	s3 =	sld [smem:$0x3FFD];
	_ =	sdelay $0x3  }
0xe: {  	_ =	strace s3  }
0xf: {  	_ =	strace $0x8FFFFFFF  }
0x10: {  	s20 =	sld [smem:$0x3FDB];
	_ =	sdelay $0x1  }
0x11: {  	s4 =	simm.s32 $_scs_section_size  }
0x12: {  	s5 =	simm.s32 $_size__tile_overlayer_lowered;
	s6 =	simm.s32 $_tile_overlayer_lowered  }
0x13: {  	s23 =	simm.s32 $0x1BFF;
	s22 =	sshll.u32 s6, $0x1;
	s3 =	sadd.s32 s4, s20  }
0x14: {  	s7 =	simm.s32 $0x0;
	s21 =	sshll.u32 s5, $0x1;
	s5 =	sadd.s32 s22, s3  }
0x15: {  	[timem:s7], [sflag:s23] =	dma.local [hbm:s5], s21  }
0x16: {  	_ =	swait.ge [sflag:s23], s21  }
0x17: {  	s4 =	ssub.s32 $0x0, s21;
	[sflag:s23] =	ssyncset.done $0x0  }
0x18: {  	[sflag:s23] =	ssyncadd.s32 s4;
	_ =	sdelay $0x1  }
0x19: {  	s24 =	simm.s32 $0x1B8B  }
0x1a: {  	_ =	swait.ge [sflag:s24], $0x1  }
0x1b: {  	[sflag:s24] =	ssyncset.done $0x0  }
0x1c: {  	s26 =	simm.s32 $0x1B8E;
	s25 =	sld [smem:$0x3FFE];
	[sflag:s24] =	ssyncadd.s32 $0xFFFFFFFF  }
0x1d: {  	s27 =	simm.s32 $execute0_lowered;
	[smem:$0x3FD2] =	sst s26  }
0x1e: {  	s5 =	sshll.u32 s27, $0x1;
	_ =	strace $0x80000049;
	[dreg:$0x1] =	wrdreg $0xFFFFFFFF  }
0x1f: {  	s28 =	simm.s32 $_size_execute0_lowered;
	s3 =	sadd.s32 s3, s5;
	[dreg:$0x0] =	wrdreg $0x0  }
0x20: {  	s5 =	sshll.u32 s28, $0x1;
	[dreg:$0x2] =	wrdreg s3  }
0x21: {  	[dreg:$0x3] =	wrdreg s5  }
0x22: {  	[dreg:$0x4] =	wrdreg $0xC0  }
0x23: {  	_ =	task [dreg:s7], $0x5FFFF  }
0x24: {  	[dreg:$0x1] =	wrdreg $0xFFFFFFFF  }
0x25: {  	[dreg:$0x0] =	wrdreg $0x60  }
0x26: {  	[dreg:$0x2] =	wrdreg s25  }
0x27: {  	[dreg:$0x3] =	wrdreg s2  }
0x28: {  	[dreg:$0x4] =	wrdreg $0x9  }
0x29: {  	_ =	task.clear_ibuf [dreg:s7], $0x5FFFF;
	_ =	strace $0x90000049  }
0x2a: {  	s29 =	simm.s32 $0x9;
	_ =	strace $0x8000004B  }
0x2b: {  	_ =	swait.ge [sflag:s29], $0x1  }
0x2c: {  	[sflag:s29] =	ssyncadd.s32 $0xFFFFFFFF  }
0x2d: {  	_ =	strace $0x9000004B  }
0x2e: {  	_ =	sfence  }
0x2f: {  	s30 =	sld [smem:$0x0];
	_ =	sdelay $0x2  }
0x30: {  	s31 =	sshll.u32 s1, $0xD;
	s1 =	sshrl.u32 s1, $0x2  }
0x31: {  	s3 =	sand.u32 $0x4000, s31;
	s1 =	sadd.s32 s1, s30  }
0x32: {  	s0 =	sor.u32 s3, s0;
	s1 =	sshll.u32 s1, $0x11  }
0x33: {  	s0 =	sor.u32 s1, s0  }
0x34: {  	s0 =	sadd.s32 $0x8F2B, s0  }
0x35: {  	[sflag:s0] =	ssyncadd.remote.s32 $0x1  }
0x36: {  	_ =	sfence.sel $0xFFFF  }
0x37: {  	[dreg:$0x0] =	wrdreg $0xFFFFFFFF;
	(pc) =	sbr.abs _section_cstart, $3  }
0x38: {  	[dreg:$0x1] =	wrdreg $0xFFFFFFFF  }
0x39: {  	_ =	task.clear_ibuf [dreg:s7], $0x2FFFF;
	_ =	strace $0x9FFFFFFF  }
0x3a: {  	(tm) =	ssettm $0x7FFFFFFF  }
0x3b: {  	_ =	shalt  }
tec
execute0_lowered:
.L_overlay_start_1:
0x0: {  	(tag) =	ssettag $0x1  }
0x1: {  	s0 =	srdreg.scid  }
0x2: {  	s1 =	sshll.u32 s0, $0x4  }
0x3: {  	s0 =	stileid.u32;
	s1 =	sand.u32 $0x10, s1  }
0x4: {  	s1 =	sor.u32 s0, s1  }
0x5: {  	s6 =	rddreg [dreg:$0x0];
	s4 =	simm.s32 $0x1;
	s2 =	sshll.u32 s1, $0x7  }
0x6: {  	s7 =	simm.s32 $0x2;
	s12 =	simm.s32 $0x0;
	s1 =	ssub.s32 $0x4000, s2  }
0x7: {  	s8 =	simm.s32 $0x20000;
	s13 =	simm.s32 $0x0;
	s3 =	sand.u32 $0xF80, s1  }
0x8: {  	s9 =	simm.s32 $0x0;
	s5 =	sshrl.u32 s1, $0xC;
	p0 =	sne.s32 s3, $0x0  }
.Ltmp0:
0x9: {  	s1 =	rddreg [dreg:$0x2];
	s4 =	simm.s32 @!p0 $0x0;
	(pc) =	sbr.rel .LBB1_1-.Ltmp0, $4  }
0xa: {  	s11 =	simm.s32 $0x0;
	s3 =	rddreg [dreg:$0x1];
	s5 =	sadd.s32 s4, s5  }
0xb: {  	_ =	strace $0x8000004A;
	s4 =	simm.s32 $0x1;
	s5 =	smul.u32 $0x32, s5  }
0xc: {  	s6 =	sadd.s32 $0xC00, s6;
	s10 =	smov.u32 s2;
	[sflag:s4] =	ssyncpa.u1 $0x0  }
0xd: {  	p0 =	por $0x0, $0x0;
	[sflag:s7] =	ssyncpa.u1 $0x0;
	s7 =	sor.u32 $0x1, s5  }
.LBB1_4:
0xe: {  	s16 =	sshll.u32 s13, $0x3;
	s17 =	sand.u32 $0x78, s13  }
0xf: {  	s30 =	sand.u32 $0x1F800, s13;
	s12 =	sshll.u32 s12, $0x11;
	s16 =	sand.u32 $0x3C00, s16  }
0x10: {  	[tilespmem:s15+$0x810 ss:$0x81] =	vst.msk $0xffff, v2;
	s31 =	sand.u32 $0x7, s13;
	s16 =	sor.u32 s17, s16;
	s17 =	sadd.s32 s3, s30  }
0x11: {  	[tilespmem:s15+$0x1020 ss:$0x81] =	vst.msk $0xffff, v0;
	s13 =	sshll.u32 s31, $0x12;
	s12 =	sadd.s32 s12, s17;
	s16 =	sshrl.u32 s16, $0x3  }
0x12: {  	[tilespmem:s15+$0x0 ss:$0x81] =	vst.msk $0xffff, v1;
	s13 =	sor.u32 $0x400, s13;
	s12 =	sadd.s32 s16, s12  }
0x13: {  	[hbm4b:s12+s13] =	stream.strided.scatter [tilespmem:s14], [sflag:$0x2], $0x2000, s8, s13, $0x20;
	[tilespmem:$0x8080] =	vst v63  }
.LBB1_5:
0x14: {  	s14 =	sadd.s32 $0x1, s9  }
0x15: {  	s12 =	sadd.s32 $0x1000, s10;
	s16 =	smov.u32 s10;
	p2 =	sgt.s32 s14, $0x31  }
0x16: {  	s16 =	smov.u32 @p2 s12  }
0x17: {  	s14 =	simm.s32 @p2 $0x0;
	p2 =	sgt.s32 s16, $0x3FFF  }
0x18: {  	s16 =	smov.u32 @p2 s2;
	p2 =	sne.s32 s11, s7  }
.Ltmp1:
0x19: {  	p1 =	slt.u32 s11, $0x2;
	(pc) =	sbr.rel @!p2 .LBB1_6-.Ltmp1, $4  }
0x1a: {  	s15 =	simm.s32 @!p1 $0x2  }
0x1b: {  	s13 =	smov.u32 s10;
	p0 =	por !p0, !p0;
	_ =	swait.ge @!p1 [sflag:s15], $0x2000  }
0x1c: {  	s12 =	smov.u32 s9;
	[sflag:s15] =	ssyncset.done @!p1 $0x0;
	s9 =	smov.u32 s14  }
0x1d: {  	s11 =	sadd.s32 $0x1, s11;
	[sflag:s15] =	ssyncadd.s32 @!p1 $0xFFFFE000;
	s10 =	smov.u32 s16  }
.LBB1_1:
0x1e: {  	p1 =	sge.u32 s11, s5  }
0x1f: {  	s14 =	sand.u32 @!p1 $0x1FFFFFF, s9  }
0x20: {  	s15 =	smulhi.u32 @!p1 $0x4924925, s14;
	_ =	sdelay $0x1  }
0x21: {  	s15 =	smul.u32 @!p1 $0x38, s15  }
0x22: {  	s16 =	sxor.u32 @!p1 $0xFFFFFFFF, s11;
	s17 =	smul.u32 @!p1 $0x380, s10  }
0x23: {  	s31 =	sadd.s32 $0xFFFFFFFF, s11;
	s16 =	sshll.u32 @!p1 s16, $0xD;
	s14 =	ssub.s32 @!p1 s14, s15  }
0x24: {  	s15 =	sand.u32 @!p1 $0x2000, s16;
	s16 =	sadd.s32 @!p1 s6, s17;
	s14 =	sshll.u32 @!p1 s14, $0x4  }
0x25: {  	s17 =	simm.s32 @!p1 $0x1C00;
	s14 =	sadd.s32 @!p1 s14, s16;
	s16 =	simm.s32 @!p1 $0x40  }
0x26: {  	[tilespmem:s15], [sflag:$0x1] =	stream.strided.gather @!p1 [hbm4b:s14+s16], $0x2000, s17, s16, $0x38;
	[tilespmem:$0x8080] =	vst v63  }
0x27: {  	p1 =	sge.u32 s31, s5  }
.Ltmp2:
0x28: {  	_ = 	snop;
	(pc) =	sbr.rel @p1 .LBB1_5-.Ltmp2, $1  }
0x29: {  	_ =	sdelay $0x3  }
0x2a: {  	s14 =	simm.s32 $0x1  }
0x2b: {  	_ =	swait.ge [sflag:s4], $0x2000;
	s14 =	simm.s32 @!p0 $0x0  }
0x2c: {  	[sflag:s4] =	ssyncset.done $0x0;
	s15 =	sshll.u32 s14, $0xD  }
0x2d: {  	[sflag:s4] =	ssyncadd.s32 $0xFFFFE000;
	s18 =	sor.u32 $0x20, s15  }
0x2e: {  	s14 =	smul.u32 $0x8100, s14;
	v3 =	vld [tilespmem:s18+$0x10]  }
0x2f: {  	s30 =	sand.u32 $0x1, s11;
	v2 =	vld [tilespmem:s18+$0xFFFFFFF0]  }
0x30: {  	s15 =	smul.u32 $0x8100, s30;
	s14 =	sshrl.u32 s14, $0x2;
	v0 =	vld [tilespmem:s18+$0x0]  }
0x31: {  	v1 =	vld [tilespmem:s18+$0xFFFFFFE0];
	s16 =	sor.u32 $0x4000, s14  }
0x32: {  	s31 =	sshrl.u32 s15, $0x2;
	s15 =	sadd.s32 $0x0, s16  }
0x33: {  	s17 =	simm.s32 $0x4;
	s18 =	sadd.s32 $0x40, s18;
	s14 =	sor.u32 $0x4000, s31;
	[tilespmem:s15+$0x1830 ss:$0x81] =	vst.msk $0xffff, v3  }
.LBB1_3:
0x34: {  	v3 =	vld [tilespmem:s18+$0x10];
	p1 =	sne.s32 s17, $0x1FC;
	[tilespmem:s15+$0x810 ss:$0x81] =	vst.msk $0xffff, v2;
	s19 =	smov.u32 s17;
	s17 =	sadd.s32 $0x4, s17  }
.Ltmp3:
0x35: {  	v2 =	vld [tilespmem:s18+$0xFFFFFFF0];
	[tilespmem:s15+$0x1020 ss:$0x81] =	vst.msk $0xffff, v0;
	(pc) =	sbr.rel @p1 .LBB1_3-.Ltmp3, $4  }
0x36: {  	v0 =	vld [tilespmem:s18+$0x0];
	[tilespmem:s15+$0x0 ss:$0x81] =	vst.msk $0xffff, v1  }
0x37: {  	s15 =	sshra.s32 s19, $0x2;
	v1 =	vld [tilespmem:s18+$0xFFFFFFE0]  }
0x38: {  	s15 =	sadd.s32 s15, s16  }
0x39: {  	s18 =	sadd.s32 $0x40, s18;
	[tilespmem:s15+$0x1830 ss:$0x81] =	vst.msk $0xffff, v3  }
.Ltmp4:
0x3a: {  	_ = 	snop;
	(pc) =	sbr.rel .LBB1_4-.Ltmp4, $1  }
0x3b: {  	_ =	sdelay $0x3  }
.LBB1_6:
0x3c: {  	_ =	sfence.sel $0x180000  }
0x3d: {  	s2 =	simm.s32 $0x1;
	[bflag:$0x0] =	sbarrier.arrive $0xFFFF  }
0x3e: {  	s31 =	simm.s32 $0x2;
	[sflag:s2] =	ssyncpa.u1 $0x1  }
0x3f: {  	[sflag:s31] =	ssyncpa.u1 $0x1  }
0x40: {  	p0 =	sne.s32 s0, $0x0;
	_ =	strace $0x9000004A  }
0x41: {  	s0 =	sadd.s32 @!p0 $0x100000, s1;
	[bflag:$0x2] =	sbarrier.arrive $0xFFFF  }
0x42: {  	[sflag:s0] =	ssyncadd.tile.s32 @!p0 $0x1;
	_ =	shalt  }
.Lfunc_end1:
_tile_overlayer_lowered:
.L_overlay_start_2:
0x43: {  	(tag) =	ssettag $0x2  }
0x44: {  	s0 =	rddreg [dreg:$0x0];
	s2 =	stileid.u32  }
0x45: {  	s1 =	rddreg [dreg:$0x1];
	p0 =	sne.s32 s2, $0x0  }
0x46: {  	s3 =	rddreg [dreg:$0x2];
	[bflag:$0x3] =	sbarrier.arrive $0xFFFF;
	s2 =	simm.s32 @!p0 $0x1C01  }
0x47: {  	[timem:s3], [sflag:s2] =	dma.local @!p0 [hbm:s0], s1  }
0x48: {  	s0 =	simm.s32 @!p0 $0x1  }
0x49: {  	_ =	swait.ge @!p0 [sflag:s0], s1  }
0x4a: {  	s1 =	ssub.s32 @!p0 $0x0, s1;
	[sflag:s0] =	ssyncset.done @!p0 $0x0  }
0x4b: {  	[sflag:s0] =	ssyncadd.s32 @!p0 s1  }
0x4c: {  	[bflag:$0x3] =	sbarrier.arrive $0xFFFF  }
0x4d: {  	_ =	shalt  }

</sc_bundles>
